<compile_context>
chip_gen: v7x
topology: tpu7x:2x2x1
jax: 0.10.2.dev20260603
libtpu: 0.0.44.dev20260713+nightly
codegen_flags: <defaults>
</compile_context>

<pallas_src>
import functools

import jax
import jax.numpy as jnp
from jax import lax
from jax.experimental import pallas as pl
from jax.experimental.pallas import tpu as pltpu
from jax.experimental.pallas import tpu_sc as plsc

_N, _D, _C, _E = 10000, 128, 16, 320000


_NC, _NS = 2, 16
_NW = _NC * _NS
_EPW = _E // _NW
_CH = 128
_FULL = _EPW // _CH
_TAIL = _EPW - _FULL * _CH
_RPT = 624
_RTAIL = _N - _RPT * _NS

@functools.cache
def _make_sc_agg():
    mesh = plsc.VectorSubcoreMesh(core_axis_name="c", subcore_axis_name="s")
    return pl.kernel(
        _sc_agg_body,
        mesh=mesh,
        out_type=jax.ShapeDtypeStruct((_NC, _N, _D), jnp.float32),
        scratch_types=[
            pltpu.VMEM((_FULL * _CH,), jnp.int32),
            pltpu.VMEM((_CH,), jnp.int32),
            pltpu.VMEM((_CH,), jnp.int32),
            pltpu.VMEM((_CH, _D), jnp.float32),
            pltpu.VMEM((_CH, _D), jnp.float32),
            pltpu.VMEM((_TAIL,), jnp.int32),
            pltpu.VMEM((_TAIL,), jnp.int32),
            pltpu.VMEM((_TAIL, _D), jnp.float32),
            pltpu.VMEM_SHARED((_N, _D), jnp.float32),
            pltpu.SemaphoreType.DMA,
            pltpu.SemaphoreType.DMA,
            pltpu.SemaphoreType.DMA,
            pltpu.SemaphoreType.DMA,
            pltpu.SemaphoreType.DMA,
            pltpu.SemaphoreType.DMA,
        ],
    )


def _sc_agg(x, src, dst, zeros):
    return _make_sc_agg()(x, src, dst, zeros)


def _sc_agg_body(x_hbm, src_hbm, dst_hbm, zero_hbm,
                 out_hbm, src_v, db0, db1, rows0, rows1, src_t, dst_t, rows_t,
                 agg_sh, sd0, sd1, sg0, sg1, ss0, ss1):
    cid = lax.axis_index("c")
    sid = lax.axis_index("s")
    wid = sid * _NC + cid
    db = (db0, db1)
    rows = (rows0, rows1)
    sd = (sd0, sd1)
    sg = (sg0, sg1)
    ss = (ss0, ss1)

    pltpu.sync_copy(zero_hbm.at[pl.ds(0, _RPT)],
                    agg_sh.at[pl.ds(sid * _RPT, _RPT)])

    @pl.when(sid == _NS - 1)
    def _():
        pltpu.sync_copy(zero_hbm.at[pl.ds(0, _RTAIL)],
                        agg_sh.at[pl.ds(_NS * _RPT, _RTAIL)])

    e0 = wid * _EPW
    pltpu.sync_copy(src_hbm.at[pl.ds(e0, _FULL * _CH)], src_v)
    plsc.subcore_barrier()

    def _dst_load(b, i):
        pltpu.async_copy(dst_hbm.at[pl.ds(e0 + i * _CH, _CH)], db[b], sd[b])

    def _wait_dst(b, i):
        pltpu.make_async_copy(
            dst_hbm.at[pl.ds(e0 + i * _CH, _CH)], db[b], sd[b]).wait()

    def _gather(b, i):
        pltpu.async_copy(x_hbm.at[src_v.at[pl.ds(i * _CH, _CH)]],
                         rows[b], sg[b])

    def _wait_gather(b, i):
        pltpu.make_async_copy(x_hbm.at[src_v.at[pl.ds(i * _CH, _CH)]],
                              rows[b], sg[b]).wait()

    def _scatter(b):
        pltpu.async_copy(rows[b], agg_sh.at[db[b]], ss[b], add=True)

    def _wait_scatter(b):
        pltpu.make_async_copy(rows[b], agg_sh.at[db[b]], ss[b]).wait()

    _dst_load(0, 0)
    _gather(0, 0)

    def body(j, carry):
        i0 = 2 * j
        i1 = 2 * j + 1

        @pl.when(j > 0)
        def _():
            _wait_scatter(1)

        _dst_load(1, i1)
        _gather(1, i1)
        _wait_gather(0, i0)
        _wait_dst(0, i0)
        _scatter(0)

        @pl.when(j < _FULL // 2 - 1)
        def _():
            _wait_scatter(0)
            _dst_load(0, i0 + 2)
            _gather(0, i0 + 2)

        _wait_gather(1, i1)
        _wait_dst(1, i1)
        _scatter(1)
        return carry

    lax.fori_loop(0, _FULL // 2, body, 0)
    _wait_scatter(0)
    _wait_scatter(1)

    pltpu.sync_copy(src_hbm.at[pl.ds(e0 + _FULL * _CH, _TAIL)], src_t)
    pltpu.sync_copy(dst_hbm.at[pl.ds(e0 + _FULL * _CH, _TAIL)], dst_t)
    pltpu.async_copy(x_hbm.at[src_t], rows_t, sg0).wait()
    pltpu.sync_copy(rows_t, agg_sh.at[dst_t], add=True)

    plsc.subcore_barrier()
    pltpu.sync_copy(agg_sh.at[pl.ds(sid * _RPT, _RPT)],
                    out_hbm.at[cid, pl.ds(sid * _RPT, _RPT)])

    @pl.when(sid == _NS - 1)
    def _():
        pltpu.sync_copy(agg_sh.at[pl.ds(_NS * _RPT, _RTAIL)],
                        out_hbm.at[cid, pl.ds(_NS * _RPT, _RTAIL)])



def _edges_body(ei_ref, s_ref, d_ref):
    s_ref[...] = ei_ref[0]
    d_ref[...] = ei_ref[1]


def _edges_split(edge_index):
    return pl.pallas_call(
        _edges_body,
        out_shape=[jax.ShapeDtypeStruct((_E,), jnp.int32),
                   jax.ShapeDtypeStruct((_E,), jnp.int32)],
    )(edge_index)


_R = 5000
_NB = _N // _R


def _mlp_body(x_ref, a_ref, w1_ref, b1_ref, w2_ref, b2_ref,
              p_ref, st_ref, acc):
    i = pl.program_id(0)
    z = x_ref[...] + a_ref[0] + a_ref[1]
    t = jnp.maximum(
        jnp.dot(z, w1_ref[...], preferred_element_type=jnp.float32)
        + b1_ref[...], 0.0)
    p = jnp.maximum(
        jnp.dot(t, w2_ref[...], preferred_element_type=jnp.float32)
        + b2_ref[...], 0.0)
    p_ref[...] = p

    @pl.when(i == 0)
    def _():
        acc[...] = jnp.zeros_like(acc)

    s = jnp.sum(p, axis=0, keepdims=True)
    ss = jnp.sum(p * p, axis=0, keepdims=True)
    acc[...] += jnp.concatenate([s, ss], axis=0)

    @pl.when(i == _NB - 1)
    def _():
        st_ref[...] = acc[...]


def _mlp(x, agg, W1, b1, W2, b2):
    return pl.pallas_call(
        _mlp_body,
        grid=(_NB,),
        in_specs=[
            pl.BlockSpec((_R, _D), lambda i: (i, 0)),
            pl.BlockSpec((_NC, _R, _D), lambda i: (0, i, 0)),
            pl.BlockSpec((_D, _D), lambda i: (0, 0)),
            pl.BlockSpec((1, _D), lambda i: (0, 0)),
            pl.BlockSpec((_D, _D), lambda i: (0, 0)),
            pl.BlockSpec((1, _D), lambda i: (0, 0)),
        ],
        out_specs=[
            pl.BlockSpec((_R, _D), lambda i: (i, 0)),
            pl.BlockSpec((2, _D), lambda i: (0, 0)),
        ],
        out_shape=[
            jax.ShapeDtypeStruct((_N, _D), jnp.float32),
            jax.ShapeDtypeStruct((2, _D), jnp.float32),
        ],
        scratch_shapes=[pltpu.VMEM((2, _D), jnp.float32)],
    )(x, agg, W1, b1, W2, b2)


def _norm_body(p_ref, st_ref, g_ref, be_ref, o_ref):
    mu = st_ref[0:1, :] / _N
    var = st_ref[1:2, :] / _N - mu * mu
    inv = jax.lax.rsqrt(var + 1e-5)
    o_ref[...] = (p_ref[...] - mu) * inv * g_ref[...] + be_ref[...]


def _norm(p, st, g, be):
    return pl.pallas_call(
        _norm_body,
        grid=(_NB,),
        in_specs=[
            pl.BlockSpec((_R, _D), lambda i: (i, 0)),
            pl.BlockSpec((2, _D), lambda i: (0, 0)),
            pl.BlockSpec((1, _D), lambda i: (0, 0)),
            pl.BlockSpec((1, _D), lambda i: (0, 0)),
        ],
        out_specs=pl.BlockSpec((_R, _D), lambda i: (i, 0)),
        out_shape=jax.ShapeDtypeStruct((_N, _D), jnp.float32),
    )(p, st, g, be)


def _final_body(x_ref, a_ref, w1_ref, b1_ref, w2_ref, b2_ref,
                wf_ref, bf_ref, o_ref):
    z = x_ref[...] + a_ref[0] + a_ref[1]
    t = jnp.maximum(
        jnp.dot(z, w1_ref[...], preferred_element_type=jnp.float32)
        + b1_ref[...], 0.0)
    h = jnp.maximum(
        jnp.dot(t, w2_ref[...], preferred_element_type=jnp.float32)
        + b2_ref[...], 0.0)
    o = jnp.dot(h, wf_ref[...], preferred_element_type=jnp.float32) + bf_ref[...]
    m = jnp.max(o, axis=-1, keepdims=True)
    lse = jnp.log(jnp.sum(jnp.exp(o - m), axis=-1, keepdims=True)) + m
    o_ref[...] = o - lse


def _final(x, agg, W1, b1, W2, b2, Wf, bf):
    return pl.pallas_call(
        _final_body,
        grid=(_NB,),
        in_specs=[
            pl.BlockSpec((_R, _D), lambda i: (i, 0)),
            pl.BlockSpec((_NC, _R, _D), lambda i: (0, i, 0)),
            pl.BlockSpec((_D, _D), lambda i: (0, 0)),
            pl.BlockSpec((1, _D), lambda i: (0, 0)),
            pl.BlockSpec((_D, _D), lambda i: (0, 0)),
            pl.BlockSpec((1, _D), lambda i: (0, 0)),
            pl.BlockSpec((_D, _C), lambda i: (0, 0)),
            pl.BlockSpec((1, _C), lambda i: (0, 0)),
        ],
        out_specs=pl.BlockSpec((_R, _C), lambda i: (i, 0)),
        out_shape=jax.ShapeDtypeStruct((_N, _C), jnp.float32),
    )(x, agg, W1, b1, W2, b2, Wf, bf)



def kernel(x, edge_index, W11, b11, W12, b12, W21, b21, W22, b22,
           W31, b31, W32, b32, g1, be1, g2, be2, Wf, bf):
    srcv, dstv = _edges_split(edge_index)
    zeros = jnp.zeros((_RPT, _D), jnp.float32)

    b11r, b12r = b11.reshape(1, _D), b12.reshape(1, _D)
    b21r, b22r = b21.reshape(1, _D), b22.reshape(1, _D)
    b31r, b32r = b31.reshape(1, _D), b32.reshape(1, _D)
    bfr = bf.reshape(1, _C)
    g1r, be1r = g1.reshape(1, _D), be1.reshape(1, _D)
    g2r, be2r = g2.reshape(1, _D), be2.reshape(1, _D)

    agg1 = _sc_agg(x, srcv, dstv, zeros)
    p1, st1 = _mlp(x, agg1, W11, b11r, W12, b12r)
    h1 = _norm(p1, st1, g1r, be1r)
    agg2 = _sc_agg(h1, srcv, dstv, zeros)
    p2, st2 = _mlp(h1, agg2, W21, b21r, W22, b22r)
    h2 = _norm(p2, st2, g2r, be2r)
    agg3 = _sc_agg(h2, srcv, dstv, zeros)
    return _final(h2, agg3, W31, b31r, W32, b32r, Wf, bfr)

# --- scband reference (transcript-rebuilt; emitter-appended) ---
"""Pipeline reference for scband-gin-32684701123330 (READ-ONLY COPY).

The authoritative reference and input builder live on the scoring server;
editing this copy changes nothing except your own understanding.
"""

import jax, jax.numpy as jnp
import numpy as np

N, F_IN, D, C, E = 10000, 128, 128, 16, 320000


def _bn(x, gamma, beta):
    mu = jnp.mean(x, axis=0, keepdims=True)
    var = jnp.var(x, axis=0, keepdims=True)
    return (x - mu) / jnp.sqrt(var + 1e-5) * gamma + beta


def _gin_conv(x, edge_index, W1, b1, W2, b2):
    # PyG GINConv with default eps=0: out = nn((1+eps)*x + sum_{j in N(i)} x_j)
    agg = jnp.zeros_like(x).at[edge_index[1]].add(x[edge_index[0]])
    h = x + agg
    h = jnp.maximum(h @ W1 + b1, 0.0)
    return h @ W2 + b2


def setup_inputs(seed: int = 0):
    key = jax.random.key(seed)
    ks = jax.random.split(key, 32)
    s = 1.0 / np.sqrt(D)
    inp = {}
    inp["x"] = jax.random.normal(ks[0], (N, F_IN), dtype=jnp.float32)
    inp["edge_index"] = jax.random.randint(ks[1], (2, E), 0, N, dtype=jnp.int32)
    inp["W11"] = jax.random.normal(ks[2], (F_IN, D), dtype=jnp.float32) * s
    inp["b11"] = jnp.zeros((D,), dtype=jnp.float32)
    inp["W12"] = jax.random.normal(ks[3], (D, D), dtype=jnp.float32) * s
    inp["b12"] = jnp.zeros((D,), dtype=jnp.float32)
    inp["W21"] = jax.random.normal(ks[4], (D, D), dtype=jnp.float32) * s
    inp["b21"] = jnp.zeros((D,), dtype=jnp.float32)
    inp["W22"] = jax.random.normal(ks[5], (D, D), dtype=jnp.float32) * s
    inp["b22"] = jnp.zeros((D,), dtype=jnp.float32)
    inp["W31"] = jax.random.normal(ks[6], (D, D), dtype=jnp.float32) * s
    inp["b31"] = jnp.zeros((D,), dtype=jnp.float32)
    inp["W32"] = jax.random.normal(ks[7], (D, D), dtype=jnp.float32) * s
    inp["b32"] = jnp.zeros((D,), dtype=jnp.float32)
    inp["g1"] = jnp.ones((D,), dtype=jnp.float32)
    inp["be1"] = jnp.zeros((D,), dtype=jnp.float32)
    inp["g2"] = jnp.ones((D,), dtype=jnp.float32)
    inp["be2"] = jnp.zeros((D,), dtype=jnp.float32)
    inp["Wf"] = jax.random.normal(ks[8], (D, C), dtype=jnp.float32) * s
    inp["bf"] = jnp.zeros((C,), dtype=jnp.float32)
    return inp


def reference(x, edge_index, W11, b11, W12, b12, W21, b21, W22, b22, W31, b31, W32, b32, g1, be1, g2, be2, Wf, bf):
    h = jnp.maximum(_gin_conv(x, edge_index, W11, b11, W12, b12), 0.0)
    h = _bn(h, g1, be1)
    h = jnp.maximum(_gin_conv(h, edge_index, W21, b21, W22, b22), 0.0)
    h = _bn(h, g2, be2)
    h = jnp.maximum(_gin_conv(h, edge_index, W31, b31, W32, b32), 0.0)
    # dropout p=0.5 treated as identity (eval-mode for determinism)
    h = h @ Wf + bf
    return jax.nn.log_softmax(h, axis=-1)

if __name__ == "__main__":
    import jax
    _d = setup_inputs()
    print(jax.jit(kernel)(*tuple(_d.values())))

</pallas_src>

<mosaic_0001>
#map = affine_map<(d0, d1) -> (0, 0)>
#map1 = affine_map<(d0, d1) -> (0)>
#map2 = affine_map<(d0, d1) -> (0, 0, 0)>
module attributes {stable_mosaic.version = 14 : i64} {
  func.func @_sc_agg_body(%arg0: i32, %arg1: i32, %arg2: memref<10000x128xf32, #tpu.memory_space<hbm>>, %arg3: memref<320000xi32, #tpu.memory_space<hbm>>, %arg4: memref<320000xi32, #tpu.memory_space<hbm>>, %arg5: memref<624x128xf32, #tpu.memory_space<hbm>>, %arg6: memref<2x10000x128xf32, #tpu.memory_space<hbm>>, %arg7: memref<9984xi32, #tpu.memory_space<vmem>>, %arg8: memref<128xi32, #tpu.memory_space<vmem>>, %arg9: memref<128xi32, #tpu.memory_space<vmem>>, %arg10: memref<128x128xf32, #tpu.memory_space<vmem>>, %arg11: memref<128x128xf32, #tpu.memory_space<vmem>>, %arg12: memref<16xi32, #tpu.memory_space<vmem>>, %arg13: memref<16xi32, #tpu.memory_space<vmem>>, %arg14: memref<16x128xf32, #tpu.memory_space<vmem>>, %arg15: memref<10000x128xf32, #tpu.memory_space<vmem_shared>>, %arg16: memref<!tpu.dma_semaphore, #tpu.memory_space<semaphore_mem>>, %arg17: memref<!tpu.dma_semaphore, #tpu.memory_space<semaphore_mem>>, %arg18: memref<!tpu.dma_semaphore, #tpu.memory_space<semaphore_mem>>, %arg19: memref<!tpu.dma_semaphore, #tpu.memory_space<semaphore_mem>>, %arg20: memref<!tpu.dma_semaphore, #tpu.memory_space<semaphore_mem>>, %arg21: memref<!tpu.dma_semaphore, #tpu.memory_space<semaphore_mem>>) attributes {dimension_semantics = [#tpu.dimension_semantics<core_parallel>, #tpu.dimension_semantics<subcore_parallel>], iteration_bounds = array<i64: 2, 16>, scalar_prefetch = 0 : i64, scratch_operands = 15 : i64, tpu.core_type = #tpu.core_type<sc_vector_subcore>, window_params = [{transform_indices = #map}, {transform_indices = #map1}, {transform_indices = #map1}, {transform_indices = #map}, {transform_indices = #map2}]} {
    %mul3A = arith.constant 2 : i32
    %mul3A_0 = arith.muli %arg1, %mul3A : i32
    %add3A = arith.addi %mul3A_0, %arg0 : i32
    %mul3A_1 = arith.constant 624 : i32
    %mul3A_2 = arith.muli %arg1, %mul3A_1 : i32
    "tpu.region"() ({
      %run_scoped3A = tpu.sem_alloc : memref<!tpu.dma_semaphore, #tpu.memory_space<semaphore_mem>>
      %dma_start3A_45 = arith.constant 0 : i32
      %dma_start3A_46 = tpu.memref_slice %arg15[%mul3A_2, %dma_start3A_45] : memref<10000x128xf32, #tpu.memory_space<vmem_shared>> -> memref<624x128xf32, #tpu.memory_space<vmem_shared>>
      %dma_start3A_47 = arith.constant 0 : i32
      %dma_start3A_48 = arith.constant 0 : i32
      %dma_start3A_49 = tpu.memref_slice %arg5[%dma_start3A_47, %dma_start3A_48] : memref<624x128xf32, #tpu.memory_space<hbm>> -> memref<624x128xf32, #tpu.memory_space<hbm>>
      tpu.enqueue_dma source(%dma_start3A_49 : memref<624x128xf32, #tpu.memory_space<hbm>>) target(%dma_start3A_46 : memref<624x128xf32, #tpu.memory_space<vmem_shared>>) target_semaphore(%run_scoped3A : memref<!tpu.dma_semaphore, #tpu.memory_space<semaphore_mem>>)
      %dma_wait3A_50 = arith.constant 0 : i32
      %dma_wait3A_51 = tpu.memref_slice %arg15[%mul3A_2, %dma_wait3A_50] : memref<10000x128xf32, #tpu.memory_space<vmem_shared>> -> memref<624x128xf32, #tpu.memory_space<vmem_shared>>
      %dma_wait3A_52 = arith.constant 0 : i32
      %dma_wait3A_53 = arith.constant 0 : i32
      %dma_wait3A_54 = tpu.memref_slice %arg5[%dma_wait3A_52, %dma_wait3A_53] : memref<624x128xf32, #tpu.memory_space<hbm>> -> memref<624x128xf32, #tpu.memory_space<hbm>>
      tpu.wait_dma2 semaphore(%run_scoped3A : memref<!tpu.dma_semaphore, #tpu.memory_space<semaphore_mem>>) src(%dma_wait3A_54 : memref<624x128xf32, #tpu.memory_space<hbm>>) dst(%dma_wait3A_51 : memref<624x128xf32, #tpu.memory_space<vmem_shared>>)
      tpu.yield
    }) : () -> ()
    %eq3A = arith.constant 15 : i32
    %eq3A_3 = arith.cmpi eq, %arg1, %eq3A : i32
    %convert_element_type3A = arith.extui %eq3A_3 : i1 to i32
    %cond3A = arith.constant 0 : i32
    %cond3A_4 = arith.cmpi ne, %convert_element_type3A, %cond3A : i32
    scf.if %cond3A_4 {
      "tpu.region"() ({
        %run_scoped3A = tpu.sem_alloc : memref<!tpu.dma_semaphore, #tpu.memory_space<semaphore_mem>>
        %dma_start3A_45 = arith.constant 9984 : i32
        %dma_start3A_46 = arith.constant 0 : i32
        %dma_start3A_47 = tpu.memref_slice %arg15[%dma_start3A_45, %dma_start3A_46] : memref<10000x128xf32, #tpu.memory_space<vmem_shared>> -> memref<16x128xf32, #tpu.memory_space<vmem_shared>>
        %dma_start3A_48 = arith.constant 0 : i32
        %dma_start3A_49 = arith.constant 0 : i32
        %dma_start3A_50 = tpu.memref_slice %arg5[%dma_start3A_48, %dma_start3A_49] : memref<624x128xf32, #tpu.memory_space<hbm>> -> memref<16x128xf32, #tpu.memory_space<hbm>>
        tpu.enqueue_dma source(%dma_start3A_50 : memref<16x128xf32, #tpu.memory_space<hbm>>) target(%dma_start3A_47 : memref<16x128xf32, #tpu.memory_space<vmem_shared>>) target_semaphore(%run_scoped3A : memref<!tpu.dma_semaphore, #tpu.memory_space<semaphore_mem>>)
        %dma_wait3A_51 = arith.constant 9984 : i32
        %dma_wait3A_52 = arith.constant 0 : i32
        %dma_wait3A_53 = tpu.memref_slice %arg15[%dma_wait3A_51, %dma_wait3A_52] : memref<10000x128xf32, #tpu.memory_space<vmem_shared>> -> memref<16x128xf32, #tpu.memory_space<vmem_shared>>
        %dma_wait3A_54 = arith.constant 0 : i32
        %dma_wait3A_55 = arith.constant 0 : i32
        %dma_wait3A_56 = tpu.memref_slice %arg5[%dma_wait3A_54, %dma_wait3A_55] : memref<624x128xf32, #tpu.memory_space<hbm>> -> memref<16x128xf32, #tpu.memory_space<hbm>>
        tpu.wait_dma2 semaphore(%run_scoped3A : memref<!tpu.dma_semaphore, #tpu.memory_space<semaphore_mem>>) src(%dma_wait3A_56 : memref<16x128xf32, #tpu.memory_space<hbm>>) dst(%dma_wait3A_53 : memref<16x128xf32, #tpu.memory_space<vmem_shared>>)
        tpu.yield
      }) : () -> ()
    } else {
    }
    %mul3A_5 = arith.constant 10000 : i32
    %mul3A_6 = arith.muli %add3A, %mul3A_5 : i32
    "tpu.region"() ({
      %run_scoped3A = tpu.sem_alloc : memref<!tpu.dma_semaphore, #tpu.memory_space<semaphore_mem>>
      %dma_start3A_45 = tpu.memref_slice %arg3[%mul3A_6] : memref<320000xi32, #tpu.memory_space<hbm>> -> memref<9984xi32, #tpu.memory_space<hbm>>
      %dma_start3A_46 = tpu.memref_slice %arg3[%mul3A_6] : memref<320000xi32, #tpu.memory_space<hbm>> -> memref<9984xi32, #tpu.memory_space<hbm>>
      tpu.enqueue_dma source(%dma_start3A_46 : memref<9984xi32, #tpu.memory_space<hbm>>) target(%arg7 : memref<9984xi32, #tpu.memory_space<vmem>>) target_semaphore(%run_scoped3A : memref<!tpu.dma_semaphore, #tpu.memory_space<semaphore_mem>>)
      %dma_wait3A_47 = tpu.memref_slice %arg3[%mul3A_6] : memref<320000xi32, #tpu.memory_space<hbm>> -> memref<9984xi32, #tpu.memory_space<hbm>>
      %dma_wait3A_48 = tpu.memref_slice %arg3[%mul3A_6] : memref<320000xi32, #tpu.memory_space<hbm>> -> memref<9984xi32, #tpu.memory_space<hbm>>
      tpu.wait_dma2 semaphore(%run_scoped3A : memref<!tpu.dma_semaphore, #tpu.memory_space<semaphore_mem>>) src(%dma_wait3A_48 : memref<9984xi32, #tpu.memory_space<hbm>>) dst(%arg7 : memref<9984xi32, #tpu.memory_space<vmem>>)
      tpu.yield
    }) : () -> ()
    %barrier3A = arith.constant 0 : index
    tpu.barrier barrier_id(%barrier3A)
    %add3A_7 = arith.constant 0 : i32
    %add3A_8 = arith.addi %mul3A_6, %add3A_7 : i32
    %dma_start3A = tpu.memref_slice %arg4[%add3A_8] : memref<320000xi32, #tpu.memory_space<hbm>> -> memref<128xi32, #tpu.memory_space<hbm>>
    %dma_start3A_9 = tpu.memref_slice %arg4[%add3A_8] : memref<320000xi32, #tpu.memory_space<hbm>> -> memref<128xi32, #tpu.memory_space<hbm>>
    tpu.enqueue_dma source(%dma_start3A_9 : memref<128xi32, #tpu.memory_space<hbm>>) target(%arg8 : memref<128xi32, #tpu.memory_space<vmem>>) target_semaphore(%arg16 : memref<!tpu.dma_semaphore, #tpu.memory_space<semaphore_mem>>)
    %dma_start3A_10 = arith.constant 0 : i32
    %dma_start3A_11 = tpu.memref_slice %arg7[%dma_start3A_10] : memref<9984xi32, #tpu.memory_space<vmem>> -> memref<128xi32, #tpu.memory_space<vmem>>
    %dma_start3A_12 = arith.constant 0 : i32
    %dma_start3A_13 = arith.constant 0 : i32
    %dma_start3A_14 = tpu.memref_slice %arg2[%dma_start3A_12, %dma_start3A_13] : memref<10000x128xf32, #tpu.memory_space<hbm>> -> memref<10000x128xf32, #tpu.memory_space<hbm>>
    tpu.enqueue_indirect_dma source(%dma_start3A_14 : memref<10000x128xf32, #tpu.memory_space<hbm>>) target(%arg10 : memref<128x128xf32, #tpu.memory_space<vmem>>) offsets(%dma_start3A_11 : memref<128xi32, #tpu.memory_space<vmem>>) semaphore(%arg18 : memref<!tpu.dma_semaphore, #tpu.memory_space<semaphore_mem>>)
    %scan3A = arith.constant 0 : i32
    %scan3A_15 = arith.constant 0 : i32
    %scan3A_16 = arith.constant 39 : i32
    %scan3A_17 = arith.addi %scan3A_15, %scan3A_16 : i32
    %scan3A_18 = arith.constant 1 : i32
    scf.for %scan3A_45 = %scan3A_15 to %scan3A_17 step %scan3A_18  : i32 {
      %mul3A_46 = arith.constant 2 : i32
      %mul3A_47 = arith.muli %mul3A_46, %scan3A_45 : i32
      %mul3A_48 = arith.constant 2 : i32
      %mul3A_49 = arith.muli %mul3A_48, %scan3A_45 : i32
      %add3A_50 = arith.constant 1 : i32
      %add3A_51 = arith.addi %mul3A_49, %add3A_50 : i32
      %gt3A = arith.constant 0 : i32
      %gt3A_52 = arith.cmpi sgt, %scan3A_45, %gt3A : i32
      %convert_element_type3A_53 = arith.extui %gt3A_52 : i1 to i32
      %cond3A_54 = arith.constant 0 : i32
      %cond3A_55 = arith.cmpi ne, %convert_element_type3A_53, %cond3A_54 : i32
      scf.if %cond3A_55 {
        %dma_wait3A_99 = arith.constant 0 : i32
        %dma_wait3A_100 = arith.constant 0 : i32
        %dma_wait3A_101 = tpu.memref_slice %arg15[%dma_wait3A_99, %dma_wait3A_100] : memref<10000x128xf32, #tpu.memory_space<vmem_shared>> -> memref<10000x128xf32, #tpu.memory_space<vmem_shared>>
        tpu.wait_indirect_dma semaphore(%arg21 : memref<!tpu.dma_semaphore, #tpu.memory_space<semaphore_mem>>) src(%arg11 : memref<128x128xf32, #tpu.memory_space<vmem>>) dst(%dma_wait3A_101 : memref<10000x128xf32, #tpu.memory_space<vmem_shared>>)
      } else {
      }
      %mul3A_56 = arith.constant 128 : i32
      %mul3A_57 = arith.muli %add3A_51, %mul3A_56 : i32
      %add3A_58 = arith.addi %mul3A_6, %mul3A_57 : i32
      %dma_start3A_59 = tpu.memref_slice %arg4[%add3A_58] : memref<320000xi32, #tpu.memory_space<hbm>> -> memref<128xi32, #tpu.memory_space<hbm>>
      %dma_start3A_60 = tpu.memref_slice %arg4[%add3A_58] : memref<320000xi32, #tpu.memory_space<hbm>> -> memref<128xi32, #tpu.memory_space<hbm>>
      tpu.enqueue_dma source(%dma_start3A_60 : memref<128xi32, #tpu.memory_space<hbm>>) target(%arg9 : memref<128xi32, #tpu.memory_space<vmem>>) target_semaphore(%arg17 : memref<!tpu.dma_semaphore, #tpu.memory_space<semaphore_mem>>)
      %mul3A_61 = arith.constant 128 : i32
      %mul3A_62 = arith.muli %add3A_51, %mul3A_61 : i32
      %dma_start3A_63 = tpu.memref_slice %arg7[%mul3A_62] : memref<9984xi32, #tpu.memory_space<vmem>> -> memref<128xi32, #tpu.memory_space<vmem>>
      %dma_start3A_64 = arith.constant 0 : i32
      %dma_start3A_65 = arith.constant 0 : i32
      %dma_start3A_66 = tpu.memref_slice %arg2[%dma_start3A_64, %dma_start3A_65] : memref<10000x128xf32, #tpu.memory_space<hbm>> -> memref<10000x128xf32, #tpu.memory_space<hbm>>
      tpu.enqueue_indirect_dma source(%dma_start3A_66 : memref<10000x128xf32, #tpu.memory_space<hbm>>) target(%arg11 : memref<128x128xf32, #tpu.memory_space<vmem>>) offsets(%dma_start3A_63 : memref<128xi32, #tpu.memory_space<vmem>>) semaphore(%arg19 : memref<!tpu.dma_semaphore, #tpu.memory_space<semaphore_mem>>)
      %mul3A_67 = arith.constant 128 : i32
      %mul3A_68 = arith.muli %mul3A_47, %mul3A_67 : i32
      %dma_wait3A_69 = tpu.memref_slice %arg7[%mul3A_68] : memref<9984xi32, #tpu.memory_space<vmem>> -> memref<128xi32, #tpu.memory_space<vmem>>
      %dma_wait3A_70 = arith.constant 0 : i32
      %dma_wait3A_71 = arith.constant 0 : i32
      %dma_wait3A_72 = tpu.memref_slice %arg2[%dma_wait3A_70, %dma_wait3A_71] : memref<10000x128xf32, #tpu.memory_space<hbm>> -> memref<10000x128xf32, #tpu.memory_space<hbm>>
      tpu.wait_indirect_dma semaphore(%arg18 : memref<!tpu.dma_semaphore, #tpu.memory_space<semaphore_mem>>) src(%dma_wait3A_72 : memref<10000x128xf32, #tpu.memory_space<hbm>>) dst(%arg10 : memref<128x128xf32, #tpu.memory_space<vmem>>)
      %mul3A_73 = arith.constant 128 : i32
      %mul3A_74 = arith.muli %mul3A_47, %mul3A_73 : i32
      %add3A_75 = arith.addi %mul3A_6, %mul3A_74 : i32
      %dma_wait3A_76 = tpu.memref_slice %arg4[%add3A_75] : memref<320000xi32, #tpu.memory_space<hbm>> -> memref<128xi32, #tpu.memory_space<hbm>>
      %dma_wait3A_77 = tpu.memref_slice %arg4[%add3A_75] : memref<320000xi32, #tpu.memory_space<hbm>> -> memref<128xi32, #tpu.memory_space<hbm>>
      tpu.wait_dma2 semaphore(%arg16 : memref<!tpu.dma_semaphore, #tpu.memory_space<semaphore_mem>>) src(%dma_wait3A_77 : memref<128xi32, #tpu.memory_space<hbm>>) dst(%arg8 : memref<128xi32, #tpu.memory_space<vmem>>)
      %dma_start3A_78 = arith.constant 0 : i32
      %dma_start3A_79 = arith.constant 0 : i32
      %dma_start3A_80 = tpu.memref_slice %arg15[%dma_start3A_78, %dma_start3A_79] : memref<10000x128xf32, #tpu.memory_space<vmem_shared>> -> memref<10000x128xf32, #tpu.memory_space<vmem_shared>>
      tpu.enqueue_indirect_dma source(%arg10 : memref<128x128xf32, #tpu.memory_space<vmem>>) target(%dma_start3A_80 : memref<10000x128xf32, #tpu.memory_space<vmem_shared>>) offsets(%arg8 : memref<128xi32, #tpu.memory_space<vmem>>) semaphore(%arg20 : memref<!tpu.dma_semaphore, #tpu.memory_space<semaphore_mem>>) {add = true}
      %lt3A = arith.constant 38 : i32
      %lt3A_81 = arith.cmpi slt, %scan3A_45, %lt3A : i32
      %convert_element_type3A_82 = arith.extui %lt3A_81 : i1 to i32
      %cond3A_83 = arith.constant 0 : i32
      %cond3A_84 = arith.cmpi ne, %convert_element_type3A_82, %cond3A_83 : i32
      scf.if %cond3A_84 {
        %dma_wait3A_99 = arith.constant 0 : i32
        %dma_wait3A_100 = arith.constant 0 : i32
        %dma_wait3A_101 = tpu.memref_slice %arg15[%dma_wait3A_99, %dma_wait3A_100] : memref<10000x128xf32, #tpu.memory_space<vmem_shared>> -> memref<10000x128xf32, #tpu.memory_space<vmem_shared>>
        tpu.wait_indirect_dma semaphore(%arg20 : memref<!tpu.dma_semaphore, #tpu.memory_space<semaphore_mem>>) src(%arg10 : memref<128x128xf32, #tpu.memory_space<vmem>>) dst(%dma_wait3A_101 : memref<10000x128xf32, #tpu.memory_space<vmem_shared>>)
        %add3A_102 = arith.constant 2 : i32
        %add3A_103 = arith.addi %mul3A_47, %add3A_102 : i32
        %mul3A_104 = arith.constant 128 : i32
        %mul3A_105 = arith.muli %add3A_103, %mul3A_104 : i32
        %add3A_106 = arith.addi %mul3A_6, %mul3A_105 : i32
        %dma_start3A_107 = tpu.memref_slice %arg4[%add3A_106] : memref<320000xi32, #tpu.memory_space<hbm>> -> memref<128xi32, #tpu.memory_space<hbm>>
        %dma_start3A_108 = tpu.memref_slice %arg4[%add3A_106] : memref<320000xi32, #tpu.memory_space<hbm>> -> memref<128xi32, #tpu.memory_space<hbm>>
        tpu.enqueue_dma source(%dma_start3A_108 : memref<128xi32, #tpu.memory_space<hbm>>) target(%arg8 : memref<128xi32, #tpu.memory_space<vmem>>) target_semaphore(%arg16 : memref<!tpu.dma_semaphore, #tpu.memory_space<semaphore_mem>>)
        %add3A_109 = arith.constant 2 : i32
        %add3A_110 = arith.addi %mul3A_47, %add3A_109 : i32
        %mul3A_111 = arith.constant 128 : i32
        %mul3A_112 = arith.muli %add3A_110, %mul3A_111 : i32
        %dma_start3A_113 = tpu.memref_slice %arg7[%mul3A_112] : memref<9984xi32, #tpu.memory_space<vmem>> -> memref<128xi32, #tpu.memory_space<vmem>>
        %dma_start3A_114 = arith.constant 0 : i32
        %dma_start3A_115 = arith.constant 0 : i32
        %dma_start3A_116 = tpu.memref_slice %arg2[%dma_start3A_114, %dma_start3A_115] : memref<10000x128xf32, #tpu.memory_space<hbm>> -> memref<10000x128xf32, #tpu.memory_space<hbm>>
        tpu.enqueue_indirect_dma source(%dma_start3A_116 : memref<10000x128xf32, #tpu.memory_space<hbm>>) target(%arg10 : memref<128x128xf32, #tpu.memory_space<vmem>>) offsets(%dma_start3A_113 : memref<128xi32, #tpu.memory_space<vmem>>) semaphore(%arg18 : memref<!tpu.dma_semaphore, #tpu.memory_space<semaphore_mem>>)
      } else {
      }
      %mul3A_85 = arith.constant 128 : i32
      %mul3A_86 = arith.muli %add3A_51, %mul3A_85 : i32
      %dma_wait3A_87 = tpu.memref_slice %arg7[%mul3A_86] : memref<9984xi32, #tpu.memory_space<vmem>> -> memref<128xi32, #tpu.memory_space<vmem>>
      %dma_wait3A_88 = arith.constant 0 : i32
      %dma_wait3A_89 = arith.constant 0 : i32
      %dma_wait3A_90 = tpu.memref_slice %arg2[%dma_wait3A_88, %dma_wait3A_89] : memref<10000x128xf32, #tpu.memory_space<hbm>> -> memref<10000x128xf32, #tpu.memory_space<hbm>>
      tpu.wait_indirect_dma semaphore(%arg19 : memref<!tpu.dma_semaphore, #tpu.memory_space<semaphore_mem>>) src(%dma_wait3A_90 : memref<10000x128xf32, #tpu.memory_space<hbm>>) dst(%arg11 : memref<128x128xf32, #tpu.memory_space<vmem>>)
      %mul3A_91 = arith.constant 128 : i32
      %mul3A_92 = arith.muli %add3A_51, %mul3A_91 : i32
      %add3A_93 = arith.addi %mul3A_6, %mul3A_92 : i32
      %dma_wait3A_94 = tpu.memref_slice %arg4[%add3A_93] : memref<320000xi32, #tpu.memory_space<hbm>> -> memref<128xi32, #tpu.memory_space<hbm>>
      %dma_wait3A_95 = tpu.memref_slice %arg4[%add3A_93] : memref<320000xi32, #tpu.memory_space<hbm>> -> memref<128xi32, #tpu.memory_space<hbm>>
      tpu.wait_dma2 semaphore(%arg17 : memref<!tpu.dma_semaphore, #tpu.memory_space<semaphore_mem>>) src(%dma_wait3A_95 : memref<128xi32, #tpu.memory_space<hbm>>) dst(%arg9 : memref<128xi32, #tpu.memory_space<vmem>>)
      %dma_start3A_96 = arith.constant 0 : i32
      %dma_start3A_97 = arith.constant 0 : i32
      %dma_start3A_98 = tpu.memref_slice %arg15[%dma_start3A_96, %dma_start3A_97] : memref<10000x128xf32, #tpu.memory_space<vmem_shared>> -> memref<10000x128xf32, #tpu.memory_space<vmem_shared>>
      tpu.enqueue_indirect_dma source(%arg11 : memref<128x128xf32, #tpu.memory_space<vmem>>) target(%dma_start3A_98 : memref<10000x128xf32, #tpu.memory_space<vmem_shared>>) offsets(%arg9 : memref<128xi32, #tpu.memory_space<vmem>>) semaphore(%arg21 : memref<!tpu.dma_semaphore, #tpu.memory_space<semaphore_mem>>) {add = true}
    }
    %scan3A_19 = arith.constant 39 : i32
    %dma_wait3A = arith.constant 0 : i32
    %dma_wait3A_20 = arith.constant 0 : i32
    %dma_wait3A_21 = tpu.memref_slice %arg15[%dma_wait3A, %dma_wait3A_20] : memref<10000x128xf32, #tpu.memory_space<vmem_shared>> -> memref<10000x128xf32, #tpu.memory_space<vmem_shared>>
    tpu.wait_indirect_dma semaphore(%arg20 : memref<!tpu.dma_semaphore, #tpu.memory_space<semaphore_mem>>) src(%arg10 : memref<128x128xf32, #tpu.memory_space<vmem>>) dst(%dma_wait3A_21 : memref<10000x128xf32, #tpu.memory_space<vmem_shared>>)
    %dma_wait3A_22 = arith.constant 0 : i32
    %dma_wait3A_23 = arith.constant 0 : i32
    %dma_wait3A_24 = tpu.memref_slice %arg15[%dma_wait3A_22, %dma_wait3A_23] : memref<10000x128xf32, #tpu.memory_space<vmem_shared>> -> memref<10000x128xf32, #tpu.memory_space<vmem_shared>>
    tpu.wait_indirect_dma semaphore(%arg21 : memref<!tpu.dma_semaphore, #tpu.memory_space<semaphore_mem>>) src(%arg11 : memref<128x128xf32, #tpu.memory_space<vmem>>) dst(%dma_wait3A_24 : memref<10000x128xf32, #tpu.memory_space<vmem_shared>>)
    %add3A_25 = arith.constant 9984 : i32
    %add3A_26 = arith.addi %mul3A_6, %add3A_25 : i32
    "tpu.region"() ({
      %run_scoped3A = tpu.sem_alloc : memref<!tpu.dma_semaphore, #tpu.memory_space<semaphore_mem>>
      %dma_start3A_45 = tpu.memref_slice %arg3[%add3A_26] : memref<320000xi32, #tpu.memory_space<hbm>> -> memref<16xi32, #tpu.memory_space<hbm>>
      %dma_start3A_46 = tpu.memref_slice %arg3[%add3A_26] : memref<320000xi32, #tpu.memory_space<hbm>> -> memref<16xi32, #tpu.memory_space<hbm>>
      tpu.enqueue_dma source(%dma_start3A_46 : memref<16xi32, #tpu.memory_space<hbm>>) target(%arg12 : memref<16xi32, #tpu.memory_space<vmem>>) target_semaphore(%run_scoped3A : memref<!tpu.dma_semaphore, #tpu.memory_space<semaphore_mem>>)
      %dma_wait3A_47 = tpu.memref_slice %arg3[%add3A_26] : memref<320000xi32, #tpu.memory_space<hbm>> -> memref<16xi32, #tpu.memory_space<hbm>>
      %dma_wait3A_48 = tpu.memref_slice %arg3[%add3A_26] : memref<320000xi32, #tpu.memory_space<hbm>> -> memref<16xi32, #tpu.memory_space<hbm>>
      tpu.wait_dma2 semaphore(%run_scoped3A : memref<!tpu.dma_semaphore, #tpu.memory_space<semaphore_mem>>) src(%dma_wait3A_48 : memref<16xi32, #tpu.memory_space<hbm>>) dst(%arg12 : memref<16xi32, #tpu.memory_space<vmem>>)
      tpu.yield
    }) : () -> ()
    %add3A_27 = arith.constant 9984 : i32
    %add3A_28 = arith.addi %mul3A_6, %add3A_27 : i32
    "tpu.region"() ({
      %run_scoped3A = tpu.sem_alloc : memref<!tpu.dma_semaphore, #tpu.memory_space<semaphore_mem>>
      %dma_start3A_45 = tpu.memref_slice %arg4[%add3A_28] : memref<320000xi32, #tpu.memory_space<hbm>> -> memref<16xi32, #tpu.memory_space<hbm>>
      %dma_start3A_46 = tpu.memref_slice %arg4[%add3A_28] : memref<320000xi32, #tpu.memory_space<hbm>> -> memref<16xi32, #tpu.memory_space<hbm>>
      tpu.enqueue_dma source(%dma_start3A_46 : memref<16xi32, #tpu.memory_space<hbm>>) target(%arg13 : memref<16xi32, #tpu.memory_space<vmem>>) target_semaphore(%run_scoped3A : memref<!tpu.dma_semaphore, #tpu.memory_space<semaphore_mem>>)
      %dma_wait3A_47 = tpu.memref_slice %arg4[%add3A_28] : memref<320000xi32, #tpu.memory_space<hbm>> -> memref<16xi32, #tpu.memory_space<hbm>>
      %dma_wait3A_48 = tpu.memref_slice %arg4[%add3A_28] : memref<320000xi32, #tpu.memory_space<hbm>> -> memref<16xi32, #tpu.memory_space<hbm>>
      tpu.wait_dma2 semaphore(%run_scoped3A : memref<!tpu.dma_semaphore, #tpu.memory_space<semaphore_mem>>) src(%dma_wait3A_48 : memref<16xi32, #tpu.memory_space<hbm>>) dst(%arg13 : memref<16xi32, #tpu.memory_space<vmem>>)
      tpu.yield
    }) : () -> ()
    %dma_start3A_29 = arith.constant 0 : i32
    %dma_start3A_30 = arith.constant 0 : i32
    %dma_start3A_31 = tpu.memref_slice %arg2[%dma_start3A_29, %dma_start3A_30] : memref<10000x128xf32, #tpu.memory_space<hbm>> -> memref<10000x128xf32, #tpu.memory_space<hbm>>
    tpu.enqueue_indirect_dma source(%dma_start3A_31 : memref<10000x128xf32, #tpu.memory_space<hbm>>) target(%arg14 : memref<16x128xf32, #tpu.memory_space<vmem>>) offsets(%arg12 : memref<16xi32, #tpu.memory_space<vmem>>) semaphore(%arg18 : memref<!tpu.dma_semaphore, #tpu.memory_space<semaphore_mem>>)
    %dma_wait3A_32 = arith.constant 0 : i32
    %dma_wait3A_33 = arith.constant 0 : i32
    %dma_wait3A_34 = tpu.memref_slice %arg2[%dma_wait3A_32, %dma_wait3A_33] : memref<10000x128xf32, #tpu.memory_space<hbm>> -> memref<10000x128xf32, #tpu.memory_space<hbm>>
    tpu.wait_indirect_dma semaphore(%arg18 : memref<!tpu.dma_semaphore, #tpu.memory_space<semaphore_mem>>) src(%dma_wait3A_34 : memref<10000x128xf32, #tpu.memory_space<hbm>>) dst(%arg14 : memref<16x128xf32, #tpu.memory_space<vmem>>)
    "tpu.region"() ({
      %run_scoped3A = tpu.sem_alloc : memref<!tpu.dma_semaphore, #tpu.memory_space<semaphore_mem>>
      %dma_start3A_45 = arith.constant 0 : i32
      %dma_start3A_46 = arith.constant 0 : i32
      %dma_start3A_47 = tpu.memref_slice %arg15[%dma_start3A_45, %dma_start3A_46] : memref<10000x128xf32, #tpu.memory_space<vmem_shared>> -> memref<10000x128xf32, #tpu.memory_space<vmem_shared>>
      tpu.enqueue_indirect_dma source(%arg14 : memref<16x128xf32, #tpu.memory_space<vmem>>) target(%dma_start3A_47 : memref<10000x128xf32, #tpu.memory_space<vmem_shared>>) offsets(%arg13 : memref<16xi32, #tpu.memory_space<vmem>>) semaphore(%run_scoped3A : memref<!tpu.dma_semaphore, #tpu.memory_space<semaphore_mem>>) {add = true}
      %dma_wait3A_48 = arith.constant 0 : i32
      %dma_wait3A_49 = arith.constant 0 : i32
      %dma_wait3A_50 = tpu.memref_slice %arg15[%dma_wait3A_48, %dma_wait3A_49] : memref<10000x128xf32, #tpu.memory_space<vmem_shared>> -> memref<10000x128xf32, #tpu.memory_space<vmem_shared>>
      tpu.wait_indirect_dma semaphore(%run_scoped3A : memref<!tpu.dma_semaphore, #tpu.memory_space<semaphore_mem>>) src(%arg14 : memref<16x128xf32, #tpu.memory_space<vmem>>) dst(%dma_wait3A_50 : memref<10000x128xf32, #tpu.memory_space<vmem_shared>>)
      tpu.yield
    }) : () -> ()
    %barrier3A_35 = arith.constant 0 : index
    tpu.barrier barrier_id(%barrier3A_35)
    %mul3A_36 = arith.constant 624 : i32
    %mul3A_37 = arith.muli %arg1, %mul3A_36 : i32
    %mul3A_38 = arith.constant 624 : i32
    %mul3A_39 = arith.muli %arg1, %mul3A_38 : i32
    "tpu.region"() ({
      %run_scoped3A = tpu.sem_alloc : memref<!tpu.dma_semaphore, #tpu.memory_space<semaphore_mem>>
      %dma_start3A_45 = arith.constant 0 : i32
      %dma_start3A_46 = tpu.memref_slice %arg6[%arg0, %mul3A_39, %dma_start3A_45] : memref<2x10000x128xf32, #tpu.memory_space<hbm>> -> memref<1x624x128xf32, #tpu.memory_space<hbm>>
      %dma_start3A_47 = tpu.memref_squeeze %dma_start3A_46 : memref<1x624x128xf32, #tpu.memory_space<hbm>> -> memref<624x128xf32, #tpu.memory_space<hbm>>
      %dma_start3A_48 = arith.constant 0 : i32
      %dma_start3A_49 = tpu.memref_slice %arg15[%mul3A_37, %dma_start3A_48] : memref<10000x128xf32, #tpu.memory_space<vmem_shared>> -> memref<624x128xf32, #tpu.memory_space<vmem_shared>>
      tpu.enqueue_dma source(%dma_start3A_49 : memref<624x128xf32, #tpu.memory_space<vmem_shared>>) target(%dma_start3A_47 : memref<624x128xf32, #tpu.memory_space<hbm>>) target_semaphore(%run_scoped3A : memref<!tpu.dma_semaphore, #tpu.memory_space<semaphore_mem>>)
      %dma_wait3A_50 = arith.constant 0 : i32
      %dma_wait3A_51 = tpu.memref_slice %arg6[%arg0, %mul3A_39, %dma_wait3A_50] : memref<2x10000x128xf32, #tpu.memory_space<hbm>> -> memref<1x624x128xf32, #tpu.memory_space<hbm>>
      %dma_wait3A_52 = tpu.memref_squeeze %dma_wait3A_51 : memref<1x624x128xf32, #tpu.memory_space<hbm>> -> memref<624x128xf32, #tpu.memory_space<hbm>>
      %dma_wait3A_53 = arith.constant 0 : i32
      %dma_wait3A_54 = tpu.memref_slice %arg15[%mul3A_37, %dma_wait3A_53] : memref<10000x128xf32, #tpu.memory_space<vmem_shared>> -> memref<624x128xf32, #tpu.memory_space<vmem_shared>>
      tpu.wait_dma2 semaphore(%run_scoped3A : memref<!tpu.dma_semaphore, #tpu.memory_space<semaphore_mem>>) src(%dma_wait3A_54 : memref<624x128xf32, #tpu.memory_space<vmem_shared>>) dst(%dma_wait3A_52 : memref<624x128xf32, #tpu.memory_space<hbm>>)
      tpu.yield
    }) : () -> ()
    %eq3A_40 = arith.constant 15 : i32
    %eq3A_41 = arith.cmpi eq, %arg1, %eq3A_40 : i32
    %convert_element_type3A_42 = arith.extui %eq3A_41 : i1 to i32
    %cond3A_43 = arith.constant 0 : i32
    %cond3A_44 = arith.cmpi ne, %convert_element_type3A_42, %cond3A_43 : i32
    scf.if %cond3A_44 {
      "tpu.region"() ({
        %run_scoped3A = tpu.sem_alloc : memref<!tpu.dma_semaphore, #tpu.memory_space<semaphore_mem>>
        %dma_start3A_45 = arith.constant 9984 : i32
        %dma_start3A_46 = arith.constant 0 : i32
        %dma_start3A_47 = tpu.memref_slice %arg6[%arg0, %dma_start3A_45, %dma_start3A_46] : memref<2x10000x128xf32, #tpu.memory_space<hbm>> -> memref<1x16x128xf32, #tpu.memory_space<hbm>>
        %dma_start3A_48 = tpu.memref_squeeze %dma_start3A_47 : memref<1x16x128xf32, #tpu.memory_space<hbm>> -> memref<16x128xf32, #tpu.memory_space<hbm>>
        %dma_start3A_49 = arith.constant 9984 : i32
        %dma_start3A_50 = arith.constant 0 : i32
        %dma_start3A_51 = tpu.memref_slice %arg15[%dma_start3A_49, %dma_start3A_50] : memref<10000x128xf32, #tpu.memory_space<vmem_shared>> -> memref<16x128xf32, #tpu.memory_space<vmem_shared>>
        tpu.enqueue_dma source(%dma_start3A_51 : memref<16x128xf32, #tpu.memory_space<vmem_shared>>) target(%dma_start3A_48 : memref<16x128xf32, #tpu.memory_space<hbm>>) target_semaphore(%run_scoped3A : memref<!tpu.dma_semaphore, #tpu.memory_space<semaphore_mem>>)
        %dma_wait3A_52 = arith.constant 9984 : i32
        %dma_wait3A_53 = arith.constant 0 : i32
        %dma_wait3A_54 = tpu.memref_slice %arg6[%arg0, %dma_wait3A_52, %dma_wait3A_53] : memref<2x10000x128xf32, #tpu.memory_space<hbm>> -> memref<1x16x128xf32, #tpu.memory_space<hbm>>
        %dma_wait3A_55 = tpu.memref_squeeze %dma_wait3A_54 : memref<1x16x128xf32, #tpu.memory_space<hbm>> -> memref<16x128xf32, #tpu.memory_space<hbm>>
        %dma_wait3A_56 = arith.constant 9984 : i32
        %dma_wait3A_57 = arith.constant 0 : i32
        %dma_wait3A_58 = tpu.memref_slice %arg15[%dma_wait3A_56, %dma_wait3A_57] : memref<10000x128xf32, #tpu.memory_space<vmem_shared>> -> memref<16x128xf32, #tpu.memory_space<vmem_shared>>
        tpu.wait_dma2 semaphore(%run_scoped3A : memref<!tpu.dma_semaphore, #tpu.memory_space<semaphore_mem>>) src(%dma_wait3A_58 : memref<16x128xf32, #tpu.memory_space<vmem_shared>>) dst(%dma_wait3A_55 : memref<16x128xf32, #tpu.memory_space<hbm>>)
        tpu.yield
      }) : () -> ()
    } else {
    }
    return
  }
}

#map = affine_map<(d0, d1) -> (0, 0)>
#map1 = affine_map<(d0, d1) -> (0)>
#map2 = affine_map<(d0, d1) -> (0, 0, 0)>
module attributes {stable_mosaic.version = 14 : i64} {
  func.func @_sc_agg_body(%arg0: i32, %arg1: i32, %arg2: memref<10000x128xf32, #tpu.memory_space<hbm>>, %arg3: memref<320000xi32, #tpu.memory_space<hbm>>, %arg4: memref<320000xi32, #tpu.memory_space<hbm>>, %arg5: memref<624x128xf32, #tpu.memory_space<hbm>>, %arg6: memref<2x10000x128xf32, #tpu.memory_space<hbm>>, %arg7: memref<9984xi32, #tpu.memory_space<vmem>>, %arg8: memref<128xi32, #tpu.memory_space<vmem>>, %arg9: memref<128xi32, #tpu.memory_space<vmem>>, %arg10: memref<128x128xf32, #tpu.memory_space<vmem>>, %arg11: memref<128x128xf32, #tpu.memory_space<vmem>>, %arg12: memref<16xi32, #tpu.memory_space<vmem>>, %arg13: memref<16xi32, #tpu.memory_space<vmem>>, %arg14: memref<16x128xf32, #tpu.memory_space<vmem>>, %arg15: memref<10000x128xf32, #tpu.memory_space<vmem_shared>>, %arg16: memref<!tpu.dma_semaphore, #tpu.memory_space<semaphore_mem>>, %arg17: memref<!tpu.dma_semaphore, #tpu.memory_space<semaphore_mem>>, %arg18: memref<!tpu.dma_semaphore, #tpu.memory_space<semaphore_mem>>, %arg19: memref<!tpu.dma_semaphore, #tpu.memory_space<semaphore_mem>>, %arg20: memref<!tpu.dma_semaphore, #tpu.memory_space<semaphore_mem>>, %arg21: memref<!tpu.dma_semaphore, #tpu.memory_space<semaphore_mem>>) attributes {dimension_semantics = [#tpu.dimension_semantics<core_parallel>, #tpu.dimension_semantics<subcore_parallel>], iteration_bounds = array<i64: 2, 16>, scalar_prefetch = 0 : i64, scratch_operands = 15 : i64, tpu.core_type = #tpu.core_type<sc_vector_subcore>, window_params = [{transform_indices = #map}, {transform_indices = #map1}, {transform_indices = #map1}, {transform_indices = #map}, {transform_indices = #map2}]} {
    %mul3A = arith.constant 2 : i32
    %mul3A_0 = arith.muli %arg1, %mul3A : i32
    %add3A = arith.addi %mul3A_0, %arg0 : i32
    %mul3A_1 = arith.constant 624 : i32
    %mul3A_2 = arith.muli %arg1, %mul3A_1 : i32
    "tpu.region"() ({
      %run_scoped3A = tpu.sem_alloc : memref<!tpu.dma_semaphore, #tpu.memory_space<semaphore_mem>>
      %dma_start3A_45 = arith.constant 0 : i32
      %dma_start3A_46 = tpu.memref_slice %arg15[%mul3A_2, %dma_start3A_45] : memref<10000x128xf32, #tpu.memory_space<vmem_shared>> -> memref<624x128xf32, #tpu.memory_space<vmem_shared>>
      %dma_start3A_47 = arith.constant 0 : i32
      %dma_start3A_48 = arith.constant 0 : i32
      %dma_start3A_49 = tpu.memref_slice %arg5[%dma_start3A_47, %dma_start3A_48] : memref<624x128xf32, #tpu.memory_space<hbm>> -> memref<624x128xf32, #tpu.memory_space<hbm>>
      tpu.enqueue_dma source(%dma_start3A_49 : memref<624x128xf32, #tpu.memory_space<hbm>>) target(%dma_start3A_46 : memref<624x128xf32, #tpu.memory_space<vmem_shared>>) target_semaphore(%run_scoped3A : memref<!tpu.dma_semaphore, #tpu.memory_space<semaphore_mem>>)
      %dma_wait3A_50 = arith.constant 0 : i32
      %dma_wait3A_51 = tpu.memref_slice %arg15[%mul3A_2, %dma_wait3A_50] : memref<10000x128xf32, #tpu.memory_space<vmem_shared>> -> memref<624x128xf32, #tpu.memory_space<vmem_shared>>
      %dma_wait3A_52 = arith.constant 0 : i32
      %dma_wait3A_53 = arith.constant 0 : i32
      %dma_wait3A_54 = tpu.memref_slice %arg5[%dma_wait3A_52, %dma_wait3A_53] : memref<624x128xf32, #tpu.memory_space<hbm>> -> memref<624x128xf32, #tpu.memory_space<hbm>>
      tpu.wait_dma2 semaphore(%run_scoped3A : memref<!tpu.dma_semaphore, #tpu.memory_space<semaphore_mem>>) src(%dma_wait3A_54 : memref<624x128xf32, #tpu.memory_space<hbm>>) dst(%dma_wait3A_51 : memref<624x128xf32, #tpu.memory_space<vmem_shared>>)
      tpu.yield
    }) : () -> ()
    %eq3A = arith.constant 15 : i32
    %eq3A_3 = arith.cmpi eq, %arg1, %eq3A : i32
    %convert_element_type3A = arith.extui %eq3A_3 : i1 to i32
    %cond3A = arith.constant 0 : i32
    %cond3A_4 = arith.cmpi ne, %convert_element_type3A, %cond3A : i32
    scf.if %cond3A_4 {
      "tpu.region"() ({
        %run_scoped3A = tpu.sem_alloc : memref<!tpu.dma_semaphore, #tpu.memory_space<semaphore_mem>>
        %dma_start3A_45 = arith.constant 9984 : i32
        %dma_start3A_46 = arith.constant 0 : i32
        %dma_start3A_47 = tpu.memref_slice %arg15[%dma_start3A_45, %dma_start3A_46] : memref<10000x128xf32, #tpu.memory_space<vmem_shared>> -> memref<16x128xf32, #tpu.memory_space<vmem_shared>>
        %dma_start3A_48 = arith.constant 0 : i32
        %dma_start3A_49 = arith.constant 0 : i32
        %dma_start3A_50 = tpu.memref_slice %arg5[%dma_start3A_48, %dma_start3A_49] : memref<624x128xf32, #tpu.memory_space<hbm>> -> memref<16x128xf32, #tpu.memory_space<hbm>>
        tpu.enqueue_dma source(%dma_start3A_50 : memref<16x128xf32, #tpu.memory_space<hbm>>) target(%dma_start3A_47 : memref<16x128xf32, #tpu.memory_space<vmem_shared>>) target_semaphore(%run_scoped3A : memref<!tpu.dma_semaphore, #tpu.memory_space<semaphore_mem>>)
        %dma_wait3A_51 = arith.constant 9984 : i32
        %dma_wait3A_52 = arith.constant 0 : i32
        %dma_wait3A_53 = tpu.memref_slice %arg15[%dma_wait3A_51, %dma_wait3A_52] : memref<10000x128xf32, #tpu.memory_space<vmem_shared>> -> memref<16x128xf32, #tpu.memory_space<vmem_shared>>
        %dma_wait3A_54 = arith.constant 0 : i32
        %dma_wait3A_55 = arith.constant 0 : i32
        %dma_wait3A_56 = tpu.memref_slice %arg5[%dma_wait3A_54, %dma_wait3A_55] : memref<624x128xf32, #tpu.memory_space<hbm>> -> memref<16x128xf32, #tpu.memory_space<hbm>>
        tpu.wait_dma2 semaphore(%run_scoped3A : memref<!tpu.dma_semaphore, #tpu.memory_space<semaphore_mem>>) src(%dma_wait3A_56 : memref<16x128xf32, #tpu.memory_space<hbm>>) dst(%dma_wait3A_53 : memref<16x128xf32, #tpu.memory_space<vmem_shared>>)
        tpu.yield
      }) : () -> ()
    } else {
    }
    %mul3A_5 = arith.constant 10000 : i32
    %mul3A_6 = arith.muli %add3A, %mul3A_5 : i32
    "tpu.region"() ({
      %run_scoped3A = tpu.sem_alloc : memref<!tpu.dma_semaphore, #tpu.memory_space<semaphore_mem>>
      %dma_start3A_45 = tpu.memref_slice %arg3[%mul3A_6] : memref<320000xi32, #tpu.memory_space<hbm>> -> memref<9984xi32, #tpu.memory_space<hbm>>
      %dma_start3A_46 = tpu.memref_slice %arg3[%mul3A_6] : memref<320000xi32, #tpu.memory_space<hbm>> -> memref<9984xi32, #tpu.memory_space<hbm>>
      tpu.enqueue_dma source(%dma_start3A_46 : memref<9984xi32, #tpu.memory_space<hbm>>) target(%arg7 : memref<9984xi32, #tpu.memory_space<vmem>>) target_semaphore(%run_scoped3A : memref<!tpu.dma_semaphore, #tpu.memory_space<semaphore_mem>>)
      %dma_wait3A_47 = tpu.memref_slice %arg3[%mul3A_6] : memref<320000xi32, #tpu.memory_space<hbm>> -> memref<9984xi32, #tpu.memory_space<hbm>>
      %dma_wait3A_48 = tpu.memref_slice %arg3[%mul3A_6] : memref<320000xi32, #tpu.memory_space<hbm>> -> memref<9984xi32, #tpu.memory_space<hbm>>
      tpu.wait_dma2 semaphore(%run_scoped3A : memref<!tpu.dma_semaphore, #tpu.memory_space<semaphore_mem>>) src(%dma_wait3A_48 : memref<9984xi32, #tpu.memory_space<hbm>>) dst(%arg7 : memref<9984xi32, #tpu.memory_space<vmem>>)
      tpu.yield
    }) : () -> ()
    %barrier3A = arith.constant 0 : index
    tpu.barrier barrier_id(%barrier3A)
    %add3A_7 = arith.constant 0 : i32
    %add3A_8 = arith.addi %mul3A_6, %add3A_7 : i32
    %dma_start3A = tpu.memref_slice %arg4[%add3A_8] : memref<320000xi32, #tpu.memory_space<hbm>> -> memref<128xi32, #tpu.memory_space<hbm>>
    %dma_start3A_9 = tpu.memref_slice %arg4[%add3A_8] : memref<320000xi32, #tpu.memory_space<hbm>> -> memref<128xi32, #tpu.memory_space<hbm>>
    tpu.enqueue_dma source(%dma_start3A_9 : memref<128xi32, #tpu.memory_space<hbm>>) target(%arg8 : memref<128xi32, #tpu.memory_space<vmem>>) target_semaphore(%arg16 : memref<!tpu.dma_semaphore, #tpu.memory_space<semaphore_mem>>)
    %dma_start3A_10 = arith.constant 0 : i32
    %dma_start3A_11 = tpu.memref_slice %arg7[%dma_start3A_10] : memref<9984xi32, #tpu.memory_space<vmem>> -> memref<128xi32, #tpu.memory_space<vmem>>
    %dma_start3A_12 = arith.constant 0 : i32
    %dma_start3A_13 = arith.constant 0 : i32
    %dma_start3A_14 = tpu.memref_slice %arg2[%dma_start3A_12, %dma_start3A_13] : memref<10000x128xf32, #tpu.memory_space<hbm>> -> memref<10000x128xf32, #tpu.memory_space<hbm>>
    tpu.enqueue_indirect_dma source(%dma_start3A_14 : memref<10000x128xf32, #tpu.memory_space<hbm>>) target(%arg10 : memref<128x128xf32, #tpu.memory_space<vmem>>) offsets(%dma_start3A_11 : memref<128xi32, #tpu.memory_space<vmem>>) semaphore(%arg18 : memref<!tpu.dma_semaphore, #tpu.memory_space<semaphore_mem>>)
    %scan3A = arith.constant 0 : i32
    %scan3A_15 = arith.constant 0 : i32
    %scan3A_16 = arith.constant 39 : i32
    %scan3A_17 = arith.addi %scan3A_15, %scan3A_16 : i32
    %scan3A_18 = arith.constant 1 : i32
    scf.for %scan3A_45 = %scan3A_15 to %scan3A_17 step %scan3A_18  : i32 {
      %mul3A_46 = arith.constant 2 : i32
      %mul3A_47 = arith.muli %mul3A_46, %scan3A_45 : i32
      %mul3A_48 = arith.constant 2 : i32
      %mul3A_49 = arith.muli %mul3A_48, %scan3A_45 : i32
      %add3A_50 = arith.constant 1 : i32
      %add3A_51 = arith.addi %mul3A_49, %add3A_50 : i32
      %gt3A = arith.constant 0 : i32
      %gt3A_52 = arith.cmpi sgt, %scan3A_45, %gt3A : i32
      %convert_element_type3A_53 = arith.extui %gt3A_52 : i1 to i32
      %cond3A_54 = arith.constant 0 : i32
      %cond3A_55 = arith.cmpi ne, %convert_element_type3A_53, %cond3A_54 : i32
      scf.if %cond3A_55 {
        %dma_wait3A_99 = arith.constant 0 : i32
        %dma_wait3A_100 = arith.constant 0 : i32
        %dma_wait3A_101 = tpu.memref_slice %arg15[%dma_wait3A_99, %dma_wait3A_100] : memref<10000x128xf32, #tpu.memory_space<vmem_shared>> -> memref<10000x128xf32, #tpu.memory_space<vmem_shared>>
        tpu.wait_indirect_dma semaphore(%arg21 : memref<!tpu.dma_semaphore, #tpu.memory_space<semaphore_mem>>) src(%arg11 : memref<128x128xf32, #tpu.memory_space<vmem>>) dst(%dma_wait3A_101 : memref<10000x128xf32, #tpu.memory_space<vmem_shared>>)
      } else {
      }
      %mul3A_56 = arith.constant 128 : i32
      %mul3A_57 = arith.muli %add3A_51, %mul3A_56 : i32
      %add3A_58 = arith.addi %mul3A_6, %mul3A_57 : i32
      %dma_start3A_59 = tpu.memref_slice %arg4[%add3A_58] : memref<320000xi32, #tpu.memory_space<hbm>> -> memref<128xi32, #tpu.memory_space<hbm>>
      %dma_start3A_60 = tpu.memref_slice %arg4[%add3A_58] : memref<320000xi32, #tpu.memory_space<hbm>> -> memref<128xi32, #tpu.memory_space<hbm>>
      tpu.enqueue_dma source(%dma_start3A_60 : memref<128xi32, #tpu.memory_space<hbm>>) target(%arg9 : memref<128xi32, #tpu.memory_space<vmem>>) target_semaphore(%arg17 : memref<!tpu.dma_semaphore, #tpu.memory_space<semaphore_mem>>)
      %mul3A_61 = arith.constant 128 : i32
      %mul3A_62 = arith.muli %add3A_51, %mul3A_61 : i32
      %dma_start3A_63 = tpu.memref_slice %arg7[%mul3A_62] : memref<9984xi32, #tpu.memory_space<vmem>> -> memref<128xi32, #tpu.memory_space<vmem>>
      %dma_start3A_64 = arith.constant 0 : i32
      %dma_start3A_65 = arith.constant 0 : i32
      %dma_start3A_66 = tpu.memref_slice %arg2[%dma_start3A_64, %dma_start3A_65] : memref<10000x128xf32, #tpu.memory_space<hbm>> -> memref<10000x128xf32, #tpu.memory_space<hbm>>
      tpu.enqueue_indirect_dma source(%dma_start3A_66 : memref<10000x128xf32, #tpu.memory_space<hbm>>) target(%arg11 : memref<128x128xf32, #tpu.memory_space<vmem>>) offsets(%dma_start3A_63 : memref<128xi32, #tpu.memory_space<vmem>>) semaphore(%arg19 : memref<!tpu.dma_semaphore, #tpu.memory_space<semaphore_mem>>)
      %mul3A_67 = arith.constant 128 : i32
      %mul3A_68 = arith.muli %mul3A_47, %mul3A_67 : i32
      %dma_wait3A_69 = tpu.memref_slice %arg7[%mul3A_68] : memref<9984xi32, #tpu.memory_space<vmem>> -> memref<128xi32, #tpu.memory_space<vmem>>
      %dma_wait3A_70 = arith.constant 0 : i32
      %dma_wait3A_71 = arith.constant 0 : i32
      %dma_wait3A_72 = tpu.memref_slice %arg2[%dma_wait3A_70, %dma_wait3A_71] : memref<10000x128xf32, #tpu.memory_space<hbm>> -> memref<10000x128xf32, #tpu.memory_space<hbm>>
      tpu.wait_indirect_dma semaphore(%arg18 : memref<!tpu.dma_semaphore, #tpu.memory_space<semaphore_mem>>) src(%dma_wait3A_72 : memref<10000x128xf32, #tpu.memory_space<hbm>>) dst(%arg10 : memref<128x128xf32, #tpu.memory_space<vmem>>)
      %mul3A_73 = arith.constant 128 : i32
      %mul3A_74 = arith.muli %mul3A_47, %mul3A_73 : i32
      %add3A_75 = arith.addi %mul3A_6, %mul3A_74 : i32
      %dma_wait3A_76 = tpu.memref_slice %arg4[%add3A_75] : memref<320000xi32, #tpu.memory_space<hbm>> -> memref<128xi32, #tpu.memory_space<hbm>>
      %dma_wait3A_77 = tpu.memref_slice %arg4[%add3A_75] : memref<320000xi32, #tpu.memory_space<hbm>> -> memref<128xi32, #tpu.memory_space<hbm>>
      tpu.wait_dma2 semaphore(%arg16 : memref<!tpu.dma_semaphore, #tpu.memory_space<semaphore_mem>>) src(%dma_wait3A_77 : memref<128xi32, #tpu.memory_space<hbm>>) dst(%arg8 : memref<128xi32, #tpu.memory_space<vmem>>)
      %dma_start3A_78 = arith.constant 0 : i32
      %dma_start3A_79 = arith.constant 0 : i32
      %dma_start3A_80 = tpu.memref_slice %arg15[%dma_start3A_78, %dma_start3A_79] : memref<10000x128xf32, #tpu.memory_space<vmem_shared>> -> memref<10000x128xf32, #tpu.memory_space<vmem_shared>>
      tpu.enqueue_indirect_dma source(%arg10 : memref<128x128xf32, #tpu.memory_space<vmem>>) target(%dma_start3A_80 : memref<10000x128xf32, #tpu.memory_space<vmem_shared>>) offsets(%arg8 : memref<128xi32, #tpu.memory_space<vmem>>) semaphore(%arg20 : memref<!tpu.dma_semaphore, #tpu.memory_space<semaphore_mem>>) {add = true}
      %lt3A = arith.constant 38 : i32
      %lt3A_81 = arith.cmpi slt, %scan3A_45, %lt3A : i32
      %convert_element_type3A_82 = arith.extui %lt3A_81 : i1 to i32
      %cond3A_83 = arith.constant 0 : i32
      %cond3A_84 = arith.cmpi ne, %convert_element_type3A_82, %cond3A_83 : i32
      scf.if %cond3A_84 {
        %dma_wait3A_99 = arith.constant 0 : i32
        %dma_wait3A_100 = arith.constant 0 : i32
        %dma_wait3A_101 = tpu.memref_slice %arg15[%dma_wait3A_99, %dma_wait3A_100] : memref<10000x128xf32, #tpu.memory_space<vmem_shared>> -> memref<10000x128xf32, #tpu.memory_space<vmem_shared>>
        tpu.wait_indirect_dma semaphore(%arg20 : memref<!tpu.dma_semaphore, #tpu.memory_space<semaphore_mem>>) src(%arg10 : memref<128x128xf32, #tpu.memory_space<vmem>>) dst(%dma_wait3A_101 : memref<10000x128xf32, #tpu.memory_space<vmem_shared>>)
        %add3A_102 = arith.constant 2 : i32
        %add3A_103 = arith.addi %mul3A_47, %add3A_102 : i32
        %mul3A_104 = arith.constant 128 : i32
        %mul3A_105 = arith.muli %add3A_103, %mul3A_104 : i32
        %add3A_106 = arith.addi %mul3A_6, %mul3A_105 : i32
        %dma_start3A_107 = tpu.memref_slice %arg4[%add3A_106] : memref<320000xi32, #tpu.memory_space<hbm>> -> memref<128xi32, #tpu.memory_space<hbm>>
        %dma_start3A_108 = tpu.memref_slice %arg4[%add3A_106] : memref<320000xi32, #tpu.memory_space<hbm>> -> memref<128xi32, #tpu.memory_space<hbm>>
        tpu.enqueue_dma source(%dma_start3A_108 : memref<128xi32, #tpu.memory_space<hbm>>) target(%arg8 : memref<128xi32, #tpu.memory_space<vmem>>) target_semaphore(%arg16 : memref<!tpu.dma_semaphore, #tpu.memory_space<semaphore_mem>>)
        %add3A_109 = arith.constant 2 : i32
        %add3A_110 = arith.addi %mul3A_47, %add3A_109 : i32
        %mul3A_111 = arith.constant 128 : i32
        %mul3A_112 = arith.muli %add3A_110, %mul3A_111 : i32
        %dma_start3A_113 = tpu.memref_slice %arg7[%mul3A_112] : memref<9984xi32, #tpu.memory_space<vmem>> -> memref<128xi32, #tpu.memory_space<vmem>>
        %dma_start3A_114 = arith.constant 0 : i32
        %dma_start3A_115 = arith.constant 0 : i32
        %dma_start3A_116 = tpu.memref_slice %arg2[%dma_start3A_114, %dma_start3A_115] : memref<10000x128xf32, #tpu.memory_space<hbm>> -> memref<10000x128xf32, #tpu.memory_space<hbm>>
        tpu.enqueue_indirect_dma source(%dma_start3A_116 : memref<10000x128xf32, #tpu.memory_space<hbm>>) target(%arg10 : memref<128x128xf32, #tpu.memory_space<vmem>>) offsets(%dma_start3A_113 : memref<128xi32, #tpu.memory_space<vmem>>) semaphore(%arg18 : memref<!tpu.dma_semaphore, #tpu.memory_space<semaphore_mem>>)
      } else {
      }
      %mul3A_85 = arith.constant 128 : i32
      %mul3A_86 = arith.muli %add3A_51, %mul3A_85 : i32
      %dma_wait3A_87 = tpu.memref_slice %arg7[%mul3A_86] : memref<9984xi32, #tpu.memory_space<vmem>> -> memref<128xi32, #tpu.memory_space<vmem>>
      %dma_wait3A_88 = arith.constant 0 : i32
      %dma_wait3A_89 = arith.constant 0 : i32
      %dma_wait3A_90 = tpu.memref_slice %arg2[%dma_wait3A_88, %dma_wait3A_89] : memref<10000x128xf32, #tpu.memory_space<hbm>> -> memref<10000x128xf32, #tpu.memory_space<hbm>>
      tpu.wait_indirect_dma semaphore(%arg19 : memref<!tpu.dma_semaphore, #tpu.memory_space<semaphore_mem>>) src(%dma_wait3A_90 : memref<10000x128xf32, #tpu.memory_space<hbm>>) dst(%arg11 : memref<128x128xf32, #tpu.memory_space<vmem>>)
      %mul3A_91 = arith.constant 128 : i32
      %mul3A_92 = arith.muli %add3A_51, %mul3A_91 : i32
      %add3A_93 = arith.addi %mul3A_6, %mul3A_92 : i32
      %dma_wait3A_94 = tpu.memref_slice %arg4[%add3A_93] : memref<320000xi32, #tpu.memory_space<hbm>> -> memref<128xi32, #tpu.memory_space<hbm>>
      %dma_wait3A_95 = tpu.memref_slice %arg4[%add3A_93] : memref<320000xi32, #tpu.memory_space<hbm>> -> memref<128xi32, #tpu.memory_space<hbm>>
      tpu.wait_dma2 semaphore(%arg17 : memref<!tpu.dma_semaphore, #tpu.memory_space<semaphore_mem>>) src(%dma_wait3A_95 : memref<128xi32, #tpu.memory_space<hbm>>) dst(%arg9 : memref<128xi32, #tpu.memory_space<vmem>>)
      %dma_start3A_96 = arith.constant 0 : i32
      %dma_start3A_97 = arith.constant 0 : i32
      %dma_start3A_98 = tpu.memref_slice %arg15[%dma_start3A_96, %dma_start3A_97] : memref<10000x128xf32, #tpu.memory_space<vmem_shared>> -> memref<10000x128xf32, #tpu.memory_space<vmem_shared>>
      tpu.enqueue_indirect_dma source(%arg11 : memref<128x128xf32, #tpu.memory_space<vmem>>) target(%dma_start3A_98 : memref<10000x128xf32, #tpu.memory_space<vmem_shared>>) offsets(%arg9 : memref<128xi32, #tpu.memory_space<vmem>>) semaphore(%arg21 : memref<!tpu.dma_semaphore, #tpu.memory_space<semaphore_mem>>) {add = true}
    }
    %scan3A_19 = arith.constant 39 : i32
    %dma_wait3A = arith.constant 0 : i32
    %dma_wait3A_20 = arith.constant 0 : i32
    %dma_wait3A_21 = tpu.memref_slice %arg15[%dma_wait3A, %dma_wait3A_20] : memref<10000x128xf32, #tpu.memory_space<vmem_shared>> -> memref<10000x128xf32, #tpu.memory_space<vmem_shared>>
    tpu.wait_indirect_dma semaphore(%arg20 : memref<!tpu.dma_semaphore, #tpu.memory_space<semaphore_mem>>) src(%arg10 : memref<128x128xf32, #tpu.memory_space<vmem>>) dst(%dma_wait3A_21 : memref<10000x128xf32, #tpu.memory_space<vmem_shared>>)
    %dma_wait3A_22 = arith.constant 0 : i32
    %dma_wait3A_23 = arith.constant 0 : i32
    %dma_wait3A_24 = tpu.memref_slice %arg15[%dma_wait3A_22, %dma_wait3A_23] : memref<10000x128xf32, #tpu.memory_space<vmem_shared>> -> memref<10000x128xf32, #tpu.memory_space<vmem_shared>>
    tpu.wait_indirect_dma semaphore(%arg21 : memref<!tpu.dma_semaphore, #tpu.memory_space<semaphore_mem>>) src(%arg11 : memref<128x128xf32, #tpu.memory_space<vmem>>) dst(%dma_wait3A_24 : memref<10000x128xf32, #tpu.memory_space<vmem_shared>>)
    %add3A_25 = arith.constant 9984 : i32
    %add3A_26 = arith.addi %mul3A_6, %add3A_25 : i32
    "tpu.region"() ({
      %run_scoped3A = tpu.sem_alloc : memref<!tpu.dma_semaphore, #tpu.memory_space<semaphore_mem>>
      %dma_start3A_45 = tpu.memref_slice %arg3[%add3A_26] : memref<320000xi32, #tpu.memory_space<hbm>> -> memref<16xi32, #tpu.memory_space<hbm>>
      %dma_start3A_46 = tpu.memref_slice %arg3[%add3A_26] : memref<320000xi32, #tpu.memory_space<hbm>> -> memref<16xi32, #tpu.memory_space<hbm>>
      tpu.enqueue_dma source(%dma_start3A_46 : memref<16xi32, #tpu.memory_space<hbm>>) target(%arg12 : memref<16xi32, #tpu.memory_space<vmem>>) target_semaphore(%run_scoped3A : memref<!tpu.dma_semaphore, #tpu.memory_space<semaphore_mem>>)
      %dma_wait3A_47 = tpu.memref_slice %arg3[%add3A_26] : memref<320000xi32, #tpu.memory_space<hbm>> -> memref<16xi32, #tpu.memory_space<hbm>>
      %dma_wait3A_48 = tpu.memref_slice %arg3[%add3A_26] : memref<320000xi32, #tpu.memory_space<hbm>> -> memref<16xi32, #tpu.memory_space<hbm>>
      tpu.wait_dma2 semaphore(%run_scoped3A : memref<!tpu.dma_semaphore, #tpu.memory_space<semaphore_mem>>) src(%dma_wait3A_48 : memref<16xi32, #tpu.memory_space<hbm>>) dst(%arg12 : memref<16xi32, #tpu.memory_space<vmem>>)
      tpu.yield
    }) : () -> ()
    %add3A_27 = arith.constant 9984 : i32
    %add3A_28 = arith.addi %mul3A_6, %add3A_27 : i32
    "tpu.region"() ({
      %run_scoped3A = tpu.sem_alloc : memref<!tpu.dma_semaphore, #tpu.memory_space<semaphore_mem>>
      %dma_start3A_45 = tpu.memref_slice %arg4[%add3A_28] : memref<320000xi32, #tpu.memory_space<hbm>> -> memref<16xi32, #tpu.memory_space<hbm>>
      %dma_start3A_46 = tpu.memref_slice %arg4[%add3A_28] : memref<320000xi32, #tpu.memory_space<hbm>> -> memref<16xi32, #tpu.memory_space<hbm>>
      tpu.enqueue_dma source(%dma_start3A_46 : memref<16xi32, #tpu.memory_space<hbm>>) target(%arg13 : memref<16xi32, #tpu.memory_space<vmem>>) target_semaphore(%run_scoped3A : memref<!tpu.dma_semaphore, #tpu.memory_space<semaphore_mem>>)
      %dma_wait3A_47 = tpu.memref_slice %arg4[%add3A_28] : memref<320000xi32, #tpu.memory_space<hbm>> -> memref<16xi32, #tpu.memory_space<hbm>>
      %dma_wait3A_48 = tpu.memref_slice %arg4[%add3A_28] : memref<320000xi32, #tpu.memory_space<hbm>> -> memref<16xi32, #tpu.memory_space<hbm>>
      tpu.wait_dma2 semaphore(%run_scoped3A : memref<!tpu.dma_semaphore, #tpu.memory_space<semaphore_mem>>) src(%dma_wait3A_48 : memref<16xi32, #tpu.memory_space<hbm>>) dst(%arg13 : memref<16xi32, #tpu.memory_space<vmem>>)
      tpu.yield
    }) : () -> ()
    %dma_start3A_29 = arith.constant 0 : i32
    %dma_start3A_30 = arith.constant 0 : i32
    %dma_start3A_31 = tpu.memref_slice %arg2[%dma_start3A_29, %dma_start3A_30] : memref<10000x128xf32, #tpu.memory_space<hbm>> -> memref<10000x128xf32, #tpu.memory_space<hbm>>
    tpu.enqueue_indirect_dma source(%dma_start3A_31 : memref<10000x128xf32, #tpu.memory_space<hbm>>) target(%arg14 : memref<16x128xf32, #tpu.memory_space<vmem>>) offsets(%arg12 : memref<16xi32, #tpu.memory_space<vmem>>) semaphore(%arg18 : memref<!tpu.dma_semaphore, #tpu.memory_space<semaphore_mem>>)
    %dma_wait3A_32 = arith.constant 0 : i32
    %dma_wait3A_33 = arith.constant 0 : i32
    %dma_wait3A_34 = tpu.memref_slice %arg2[%dma_wait3A_32, %dma_wait3A_33] : memref<10000x128xf32, #tpu.memory_space<hbm>> -> memref<10000x128xf32, #tpu.memory_space<hbm>>
    tpu.wait_indirect_dma semaphore(%arg18 : memref<!tpu.dma_semaphore, #tpu.memory_space<semaphore_mem>>) src(%dma_wait3A_34 : memref<10000x128xf32, #tpu.memory_space<hbm>>) dst(%arg14 : memref<16x128xf32, #tpu.memory_space<vmem>>)
    "tpu.region"() ({
      %run_scoped3A = tpu.sem_alloc : memref<!tpu.dma_semaphore, #tpu.memory_space<semaphore_mem>>
      %dma_start3A_45 = arith.constant 0 : i32
      %dma_start3A_46 = arith.constant 0 : i32
      %dma_start3A_47 = tpu.memref_slice %arg15[%dma_start3A_45, %dma_start3A_46] : memref<10000x128xf32, #tpu.memory_space<vmem_shared>> -> memref<10000x128xf32, #tpu.memory_space<vmem_shared>>
      tpu.enqueue_indirect_dma source(%arg14 : memref<16x128xf32, #tpu.memory_space<vmem>>) target(%dma_start3A_47 : memref<10000x128xf32, #tpu.memory_space<vmem_shared>>) offsets(%arg13 : memref<16xi32, #tpu.memory_space<vmem>>) semaphore(%run_scoped3A : memref<!tpu.dma_semaphore, #tpu.memory_space<semaphore_mem>>) {add = true}
      %dma_wait3A_48 = arith.constant 0 : i32
      %dma_wait3A_49 = arith.constant 0 : i32
      %dma_wait3A_50 = tpu.memref_slice %arg15[%dma_wait3A_48, %dma_wait3A_49] : memref<10000x128xf32, #tpu.memory_space<vmem_shared>> -> memref<10000x128xf32, #tpu.memory_space<vmem_shared>>
      tpu.wait_indirect_dma semaphore(%run_scoped3A : memref<!tpu.dma_semaphore, #tpu.memory_space<semaphore_mem>>) src(%arg14 : memref<16x128xf32, #tpu.memory_space<vmem>>) dst(%dma_wait3A_50 : memref<10000x128xf32, #tpu.memory_space<vmem_shared>>)
      tpu.yield
    }) : () -> ()
    %barrier3A_35 = arith.constant 0 : index
    tpu.barrier barrier_id(%barrier3A_35)
    %mul3A_36 = arith.constant 624 : i32
    %mul3A_37 = arith.muli %arg1, %mul3A_36 : i32
    %mul3A_38 = arith.constant 624 : i32
    %mul3A_39 = arith.muli %arg1, %mul3A_38 : i32
    "tpu.region"() ({
      %run_scoped3A = tpu.sem_alloc : memref<!tpu.dma_semaphore, #tpu.memory_space<semaphore_mem>>
      %dma_start3A_45 = arith.constant 0 : i32
      %dma_start3A_46 = tpu.memref_slice %arg6[%arg0, %mul3A_39, %dma_start3A_45] : memref<2x10000x128xf32, #tpu.memory_space<hbm>> -> memref<1x624x128xf32, #tpu.memory_space<hbm>>
      %dma_start3A_47 = tpu.memref_squeeze %dma_start3A_46 : memref<1x624x128xf32, #tpu.memory_space<hbm>> -> memref<624x128xf32, #tpu.memory_space<hbm>>
      %dma_start3A_48 = arith.constant 0 : i32
      %dma_start3A_49 = tpu.memref_slice %arg15[%mul3A_37, %dma_start3A_48] : memref<10000x128xf32, #tpu.memory_space<vmem_shared>> -> memref<624x128xf32, #tpu.memory_space<vmem_shared>>
      tpu.enqueue_dma source(%dma_start3A_49 : memref<624x128xf32, #tpu.memory_space<vmem_shared>>) target(%dma_start3A_47 : memref<624x128xf32, #tpu.memory_space<hbm>>) target_semaphore(%run_scoped3A : memref<!tpu.dma_semaphore, #tpu.memory_space<semaphore_mem>>)
      %dma_wait3A_50 = arith.constant 0 : i32
      %dma_wait3A_51 = tpu.memref_slice %arg6[%arg0, %mul3A_39, %dma_wait3A_50] : memref<2x10000x128xf32, #tpu.memory_space<hbm>> -> memref<1x624x128xf32, #tpu.memory_space<hbm>>
      %dma_wait3A_52 = tpu.memref_squeeze %dma_wait3A_51 : memref<1x624x128xf32, #tpu.memory_space<hbm>> -> memref<624x128xf32, #tpu.memory_space<hbm>>
      %dma_wait3A_53 = arith.constant 0 : i32
      %dma_wait3A_54 = tpu.memref_slice %arg15[%mul3A_37, %dma_wait3A_53] : memref<10000x128xf32, #tpu.memory_space<vmem_shared>> -> memref<624x128xf32, #tpu.memory_space<vmem_shared>>
      tpu.wait_dma2 semaphore(%run_scoped3A : memref<!tpu.dma_semaphore, #tpu.memory_space<semaphore_mem>>) src(%dma_wait3A_54 : memref<624x128xf32, #tpu.memory_space<vmem_shared>>) dst(%dma_wait3A_52 : memref<624x128xf32, #tpu.memory_space<hbm>>)
      tpu.yield
    }) : () -> ()
    %eq3A_40 = arith.constant 15 : i32
    %eq3A_41 = arith.cmpi eq, %arg1, %eq3A_40 : i32
    %convert_element_type3A_42 = arith.extui %eq3A_41 : i1 to i32
    %cond3A_43 = arith.constant 0 : i32
    %cond3A_44 = arith.cmpi ne, %convert_element_type3A_42, %cond3A_43 : i32
    scf.if %cond3A_44 {
      "tpu.region"() ({
        %run_scoped3A = tpu.sem_alloc : memref<!tpu.dma_semaphore, #tpu.memory_space<semaphore_mem>>
        %dma_start3A_45 = arith.constant 9984 : i32
        %dma_start3A_46 = arith.constant 0 : i32
        %dma_start3A_47 = tpu.memref_slice %arg6[%arg0, %dma_start3A_45, %dma_start3A_46] : memref<2x10000x128xf32, #tpu.memory_space<hbm>> -> memref<1x16x128xf32, #tpu.memory_space<hbm>>
        %dma_start3A_48 = tpu.memref_squeeze %dma_start3A_47 : memref<1x16x128xf32, #tpu.memory_space<hbm>> -> memref<16x128xf32, #tpu.memory_space<hbm>>
        %dma_start3A_49 = arith.constant 9984 : i32
        %dma_start3A_50 = arith.constant 0 : i32
        %dma_start3A_51 = tpu.memref_slice %arg15[%dma_start3A_49, %dma_start3A_50] : memref<10000x128xf32, #tpu.memory_space<vmem_shared>> -> memref<16x128xf32, #tpu.memory_space<vmem_shared>>
        tpu.enqueue_dma source(%dma_start3A_51 : memref<16x128xf32, #tpu.memory_space<vmem_shared>>) target(%dma_start3A_48 : memref<16x128xf32, #tpu.memory_space<hbm>>) target_semaphore(%run_scoped3A : memref<!tpu.dma_semaphore, #tpu.memory_space<semaphore_mem>>)
        %dma_wait3A_52 = arith.constant 9984 : i32
        %dma_wait3A_53 = arith.constant 0 : i32
        %dma_wait3A_54 = tpu.memref_slice %arg6[%arg0, %dma_wait3A_52, %dma_wait3A_53] : memref<2x10000x128xf32, #tpu.memory_space<hbm>> -> memref<1x16x128xf32, #tpu.memory_space<hbm>>
        %dma_wait3A_55 = tpu.memref_squeeze %dma_wait3A_54 : memref<1x16x128xf32, #tpu.memory_space<hbm>> -> memref<16x128xf32, #tpu.memory_space<hbm>>
        %dma_wait3A_56 = arith.constant 9984 : i32
        %dma_wait3A_57 = arith.constant 0 : i32
        %dma_wait3A_58 = tpu.memref_slice %arg15[%dma_wait3A_56, %dma_wait3A_57] : memref<10000x128xf32, #tpu.memory_space<vmem_shared>> -> memref<16x128xf32, #tpu.memory_space<vmem_shared>>
        tpu.wait_dma2 semaphore(%run_scoped3A : memref<!tpu.dma_semaphore, #tpu.memory_space<semaphore_mem>>) src(%dma_wait3A_58 : memref<16x128xf32, #tpu.memory_space<vmem_shared>>) dst(%dma_wait3A_55 : memref<16x128xf32, #tpu.memory_space<hbm>>)
        tpu.yield
      }) : () -> ()
    } else {
    }
    return
  }
}

#map = affine_map<(d0, d1) -> (0, 0)>
#map1 = affine_map<(d0, d1) -> (0)>
#map2 = affine_map<(d0, d1) -> (0, 0, 0)>
module attributes {stable_mosaic.version = 14 : i64} {
  func.func @_sc_agg_body(%arg0: i32, %arg1: i32, %arg2: memref<10000x128xf32, #tpu.memory_space<hbm>>, %arg3: memref<320000xi32, #tpu.memory_space<hbm>>, %arg4: memref<320000xi32, #tpu.memory_space<hbm>>, %arg5: memref<624x128xf32, #tpu.memory_space<hbm>>, %arg6: memref<2x10000x128xf32, #tpu.memory_space<hbm>>, %arg7: memref<9984xi32, #tpu.memory_space<vmem>>, %arg8: memref<128xi32, #tpu.memory_space<vmem>>, %arg9: memref<128xi32, #tpu.memory_space<vmem>>, %arg10: memref<128x128xf32, #tpu.memory_space<vmem>>, %arg11: memref<128x128xf32, #tpu.memory_space<vmem>>, %arg12: memref<16xi32, #tpu.memory_space<vmem>>, %arg13: memref<16xi32, #tpu.memory_space<vmem>>, %arg14: memref<16x128xf32, #tpu.memory_space<vmem>>, %arg15: memref<10000x128xf32, #tpu.memory_space<vmem_shared>>, %arg16: memref<!tpu.dma_semaphore, #tpu.memory_space<semaphore_mem>>, %arg17: memref<!tpu.dma_semaphore, #tpu.memory_space<semaphore_mem>>, %arg18: memref<!tpu.dma_semaphore, #tpu.memory_space<semaphore_mem>>, %arg19: memref<!tpu.dma_semaphore, #tpu.memory_space<semaphore_mem>>, %arg20: memref<!tpu.dma_semaphore, #tpu.memory_space<semaphore_mem>>, %arg21: memref<!tpu.dma_semaphore, #tpu.memory_space<semaphore_mem>>) attributes {dimension_semantics = [#tpu.dimension_semantics<core_parallel>, #tpu.dimension_semantics<subcore_parallel>], iteration_bounds = array<i64: 2, 16>, scalar_prefetch = 0 : i64, scratch_operands = 15 : i64, tpu.core_type = #tpu.core_type<sc_vector_subcore>, window_params = [{transform_indices = #map}, {transform_indices = #map1}, {transform_indices = #map1}, {transform_indices = #map}, {transform_indices = #map2}]} {
    %mul3A = arith.constant 2 : i32
    %mul3A_0 = arith.muli %arg1, %mul3A : i32
    %add3A = arith.addi %mul3A_0, %arg0 : i32
    %mul3A_1 = arith.constant 624 : i32
    %mul3A_2 = arith.muli %arg1, %mul3A_1 : i32
    "tpu.region"() ({
      %run_scoped3A = tpu.sem_alloc : memref<!tpu.dma_semaphore, #tpu.memory_space<semaphore_mem>>
      %dma_start3A_45 = arith.constant 0 : i32
      %dma_start3A_46 = tpu.memref_slice %arg15[%mul3A_2, %dma_start3A_45] : memref<10000x128xf32, #tpu.memory_space<vmem_shared>> -> memref<624x128xf32, #tpu.memory_space<vmem_shared>>
      %dma_start3A_47 = arith.constant 0 : i32
      %dma_start3A_48 = arith.constant 0 : i32
      %dma_start3A_49 = tpu.memref_slice %arg5[%dma_start3A_47, %dma_start3A_48] : memref<624x128xf32, #tpu.memory_space<hbm>> -> memref<624x128xf32, #tpu.memory_space<hbm>>
      tpu.enqueue_dma source(%dma_start3A_49 : memref<624x128xf32, #tpu.memory_space<hbm>>) target(%dma_start3A_46 : memref<624x128xf32, #tpu.memory_space<vmem_shared>>) target_semaphore(%run_scoped3A : memref<!tpu.dma_semaphore, #tpu.memory_space<semaphore_mem>>)
      %dma_wait3A_50 = arith.constant 0 : i32
      %dma_wait3A_51 = tpu.memref_slice %arg15[%mul3A_2, %dma_wait3A_50] : memref<10000x128xf32, #tpu.memory_space<vmem_shared>> -> memref<624x128xf32, #tpu.memory_space<vmem_shared>>
      %dma_wait3A_52 = arith.constant 0 : i32
      %dma_wait3A_53 = arith.constant 0 : i32
      %dma_wait3A_54 = tpu.memref_slice %arg5[%dma_wait3A_52, %dma_wait3A_53] : memref<624x128xf32, #tpu.memory_space<hbm>> -> memref<624x128xf32, #tpu.memory_space<hbm>>
      tpu.wait_dma2 semaphore(%run_scoped3A : memref<!tpu.dma_semaphore, #tpu.memory_space<semaphore_mem>>) src(%dma_wait3A_54 : memref<624x128xf32, #tpu.memory_space<hbm>>) dst(%dma_wait3A_51 : memref<624x128xf32, #tpu.memory_space<vmem_shared>>)
      tpu.yield
    }) : () -> ()
    %eq3A = arith.constant 15 : i32
    %eq3A_3 = arith.cmpi eq, %arg1, %eq3A : i32
    %convert_element_type3A = arith.extui %eq3A_3 : i1 to i32
    %cond3A = arith.constant 0 : i32
    %cond3A_4 = arith.cmpi ne, %convert_element_type3A, %cond3A : i32
    scf.if %cond3A_4 {
      "tpu.region"() ({
        %run_scoped3A = tpu.sem_alloc : memref<!tpu.dma_semaphore, #tpu.memory_space<semaphore_mem>>
        %dma_start3A_45 = arith.constant 9984 : i32
        %dma_start3A_46 = arith.constant 0 : i32
        %dma_start3A_47 = tpu.memref_slice %arg15[%dma_start3A_45, %dma_start3A_46] : memref<10000x128xf32, #tpu.memory_space<vmem_shared>> -> memref<16x128xf32, #tpu.memory_space<vmem_shared>>
        %dma_start3A_48 = arith.constant 0 : i32
        %dma_start3A_49 = arith.constant 0 : i32
        %dma_start3A_50 = tpu.memref_slice %arg5[%dma_start3A_48, %dma_start3A_49] : memref<624x128xf32, #tpu.memory_space<hbm>> -> memref<16x128xf32, #tpu.memory_space<hbm>>
        tpu.enqueue_dma source(%dma_start3A_50 : memref<16x128xf32, #tpu.memory_space<hbm>>) target(%dma_start3A_47 : memref<16x128xf32, #tpu.memory_space<vmem_shared>>) target_semaphore(%run_scoped3A : memref<!tpu.dma_semaphore, #tpu.memory_space<semaphore_mem>>)
        %dma_wait3A_51 = arith.constant 9984 : i32
        %dma_wait3A_52 = arith.constant 0 : i32
        %dma_wait3A_53 = tpu.memref_slice %arg15[%dma_wait3A_51, %dma_wait3A_52] : memref<10000x128xf32, #tpu.memory_space<vmem_shared>> -> memref<16x128xf32, #tpu.memory_space<vmem_shared>>
        %dma_wait3A_54 = arith.constant 0 : i32
        %dma_wait3A_55 = arith.constant 0 : i32
        %dma_wait3A_56 = tpu.memref_slice %arg5[%dma_wait3A_54, %dma_wait3A_55] : memref<624x128xf32, #tpu.memory_space<hbm>> -> memref<16x128xf32, #tpu.memory_space<hbm>>
        tpu.wait_dma2 semaphore(%run_scoped3A : memref<!tpu.dma_semaphore, #tpu.memory_space<semaphore_mem>>) src(%dma_wait3A_56 : memref<16x128xf32, #tpu.memory_space<hbm>>) dst(%dma_wait3A_53 : memref<16x128xf32, #tpu.memory_space<vmem_shared>>)
        tpu.yield
      }) : () -> ()
    } else {
    }
    %mul3A_5 = arith.constant 10000 : i32
    %mul3A_6 = arith.muli %add3A, %mul3A_5 : i32
    "tpu.region"() ({
      %run_scoped3A = tpu.sem_alloc : memref<!tpu.dma_semaphore, #tpu.memory_space<semaphore_mem>>
      %dma_start3A_45 = tpu.memref_slice %arg3[%mul3A_6] : memref<320000xi32, #tpu.memory_space<hbm>> -> memref<9984xi32, #tpu.memory_space<hbm>>
      %dma_start3A_46 = tpu.memref_slice %arg3[%mul3A_6] : memref<320000xi32, #tpu.memory_space<hbm>> -> memref<9984xi32, #tpu.memory_space<hbm>>
      tpu.enqueue_dma source(%dma_start3A_46 : memref<9984xi32, #tpu.memory_space<hbm>>) target(%arg7 : memref<9984xi32, #tpu.memory_space<vmem>>) target_semaphore(%run_scoped3A : memref<!tpu.dma_semaphore, #tpu.memory_space<semaphore_mem>>)
      %dma_wait3A_47 = tpu.memref_slice %arg3[%mul3A_6] : memref<320000xi32, #tpu.memory_space<hbm>> -> memref<9984xi32, #tpu.memory_space<hbm>>
      %dma_wait3A_48 = tpu.memref_slice %arg3[%mul3A_6] : memref<320000xi32, #tpu.memory_space<hbm>> -> memref<9984xi32, #tpu.memory_space<hbm>>
      tpu.wait_dma2 semaphore(%run_scoped3A : memref<!tpu.dma_semaphore, #tpu.memory_space<semaphore_mem>>) src(%dma_wait3A_48 : memref<9984xi32, #tpu.memory_space<hbm>>) dst(%arg7 : memref<9984xi32, #tpu.memory_space<vmem>>)
      tpu.yield
    }) : () -> ()
    %barrier3A = arith.constant 0 : index
    tpu.barrier barrier_id(%barrier3A)
    %add3A_7 = arith.constant 0 : i32
    %add3A_8 = arith.addi %mul3A_6, %add3A_7 : i32
    %dma_start3A = tpu.memref_slice %arg4[%add3A_8] : memref<320000xi32, #tpu.memory_space<hbm>> -> memref<128xi32, #tpu.memory_space<hbm>>
    %dma_start3A_9 = tpu.memref_slice %arg4[%add3A_8] : memref<320000xi32, #tpu.memory_space<hbm>> -> memref<128xi32, #tpu.memory_space<hbm>>
    tpu.enqueue_dma source(%dma_start3A_9 : memref<128xi32, #tpu.memory_space<hbm>>) target(%arg8 : memref<128xi32, #tpu.memory_space<vmem>>) target_semaphore(%arg16 : memref<!tpu.dma_semaphore, #tpu.memory_space<semaphore_mem>>)
    %dma_start3A_10 = arith.constant 0 : i32
    %dma_start3A_11 = tpu.memref_slice %arg7[%dma_start3A_10] : memref<9984xi32, #tpu.memory_space<vmem>> -> memref<128xi32, #tpu.memory_space<vmem>>
    %dma_start3A_12 = arith.constant 0 : i32
    %dma_start3A_13 = arith.constant 0 : i32
    %dma_start3A_14 = tpu.memref_slice %arg2[%dma_start3A_12, %dma_start3A_13] : memref<10000x128xf32, #tpu.memory_space<hbm>> -> memref<10000x128xf32, #tpu.memory_space<hbm>>
    tpu.enqueue_indirect_dma source(%dma_start3A_14 : memref<10000x128xf32, #tpu.memory_space<hbm>>) target(%arg10 : memref<128x128xf32, #tpu.memory_space<vmem>>) offsets(%dma_start3A_11 : memref<128xi32, #tpu.memory_space<vmem>>) semaphore(%arg18 : memref<!tpu.dma_semaphore, #tpu.memory_space<semaphore_mem>>)
    %scan3A = arith.constant 0 : i32
    %scan3A_15 = arith.constant 0 : i32
    %scan3A_16 = arith.constant 39 : i32
    %scan3A_17 = arith.addi %scan3A_15, %scan3A_16 : i32
    %scan3A_18 = arith.constant 1 : i32
    scf.for %scan3A_45 = %scan3A_15 to %scan3A_17 step %scan3A_18  : i32 {
      %mul3A_46 = arith.constant 2 : i32
      %mul3A_47 = arith.muli %mul3A_46, %scan3A_45 : i32
      %mul3A_48 = arith.constant 2 : i32
      %mul3A_49 = arith.muli %mul3A_48, %scan3A_45 : i32
      %add3A_50 = arith.constant 1 : i32
      %add3A_51 = arith.addi %mul3A_49, %add3A_50 : i32
      %gt3A = arith.constant 0 : i32
      %gt3A_52 = arith.cmpi sgt, %scan3A_45, %gt3A : i32
      %convert_element_type3A_53 = arith.extui %gt3A_52 : i1 to i32
      %cond3A_54 = arith.constant 0 : i32
      %cond3A_55 = arith.cmpi ne, %convert_element_type3A_53, %cond3A_54 : i32
      scf.if %cond3A_55 {
        %dma_wait3A_99 = arith.constant 0 : i32
        %dma_wait3A_100 = arith.constant 0 : i32
        %dma_wait3A_101 = tpu.memref_slice %arg15[%dma_wait3A_99, %dma_wait3A_100] : memref<10000x128xf32, #tpu.memory_space<vmem_shared>> -> memref<10000x128xf32, #tpu.memory_space<vmem_shared>>
        tpu.wait_indirect_dma semaphore(%arg21 : memref<!tpu.dma_semaphore, #tpu.memory_space<semaphore_mem>>) src(%arg11 : memref<128x128xf32, #tpu.memory_space<vmem>>) dst(%dma_wait3A_101 : memref<10000x128xf32, #tpu.memory_space<vmem_shared>>)
      } else {
      }
      %mul3A_56 = arith.constant 128 : i32
      %mul3A_57 = arith.muli %add3A_51, %mul3A_56 : i32
      %add3A_58 = arith.addi %mul3A_6, %mul3A_57 : i32
      %dma_start3A_59 = tpu.memref_slice %arg4[%add3A_58] : memref<320000xi32, #tpu.memory_space<hbm>> -> memref<128xi32, #tpu.memory_space<hbm>>
      %dma_start3A_60 = tpu.memref_slice %arg4[%add3A_58] : memref<320000xi32, #tpu.memory_space<hbm>> -> memref<128xi32, #tpu.memory_space<hbm>>
      tpu.enqueue_dma source(%dma_start3A_60 : memref<128xi32, #tpu.memory_space<hbm>>) target(%arg9 : memref<128xi32, #tpu.memory_space<vmem>>) target_semaphore(%arg17 : memref<!tpu.dma_semaphore, #tpu.memory_space<semaphore_mem>>)
      %mul3A_61 = arith.constant 128 : i32
      %mul3A_62 = arith.muli %add3A_51, %mul3A_61 : i32
      %dma_start3A_63 = tpu.memref_slice %arg7[%mul3A_62] : memref<9984xi32, #tpu.memory_space<vmem>> -> memref<128xi32, #tpu.memory_space<vmem>>
      %dma_start3A_64 = arith.constant 0 : i32
      %dma_start3A_65 = arith.constant 0 : i32
      %dma_start3A_66 = tpu.memref_slice %arg2[%dma_start3A_64, %dma_start3A_65] : memref<10000x128xf32, #tpu.memory_space<hbm>> -> memref<10000x128xf32, #tpu.memory_space<hbm>>
      tpu.enqueue_indirect_dma source(%dma_start3A_66 : memref<10000x128xf32, #tpu.memory_space<hbm>>) target(%arg11 : memref<128x128xf32, #tpu.memory_space<vmem>>) offsets(%dma_start3A_63 : memref<128xi32, #tpu.memory_space<vmem>>) semaphore(%arg19 : memref<!tpu.dma_semaphore, #tpu.memory_space<semaphore_mem>>)
      %mul3A_67 = arith.constant 128 : i32
      %mul3A_68 = arith.muli %mul3A_47, %mul3A_67 : i32
      %dma_wait3A_69 = tpu.memref_slice %arg7[%mul3A_68] : memref<9984xi32, #tpu.memory_space<vmem>> -> memref<128xi32, #tpu.memory_space<vmem>>
      %dma_wait3A_70 = arith.constant 0 : i32
      %dma_wait3A_71 = arith.constant 0 : i32
      %dma_wait3A_72 = tpu.memref_slice %arg2[%dma_wait3A_70, %dma_wait3A_71] : memref<10000x128xf32, #tpu.memory_space<hbm>> -> memref<10000x128xf32, #tpu.memory_space<hbm>>
      tpu.wait_indirect_dma semaphore(%arg18 : memref<!tpu.dma_semaphore, #tpu.memory_space<semaphore_mem>>) src(%dma_wait3A_72 : memref<10000x128xf32, #tpu.memory_space<hbm>>) dst(%arg10 : memref<128x128xf32, #tpu.memory_space<vmem>>)
      %mul3A_73 = arith.constant 128 : i32
      %mul3A_74 = arith.muli %mul3A_47, %mul3A_73 : i32
      %add3A_75 = arith.addi %mul3A_6, %mul3A_74 : i32
      %dma_wait3A_76 = tpu.memref_slice %arg4[%add3A_75] : memref<320000xi32, #tpu.memory_space<hbm>> -> memref<128xi32, #tpu.memory_space<hbm>>
      %dma_wait3A_77 = tpu.memref_slice %arg4[%add3A_75] : memref<320000xi32, #tpu.memory_space<hbm>> -> memref<128xi32, #tpu.memory_space<hbm>>
      tpu.wait_dma2 semaphore(%arg16 : memref<!tpu.dma_semaphore, #tpu.memory_space<semaphore_mem>>) src(%dma_wait3A_77 : memref<128xi32, #tpu.memory_space<hbm>>) dst(%arg8 : memref<128xi32, #tpu.memory_space<vmem>>)
      %dma_start3A_78 = arith.constant 0 : i32
      %dma_start3A_79 = arith.constant 0 : i32
      %dma_start3A_80 = tpu.memref_slice %arg15[%dma_start3A_78, %dma_start3A_79] : memref<10000x128xf32, #tpu.memory_space<vmem_shared>> -> memref<10000x128xf32, #tpu.memory_space<vmem_shared>>
      tpu.enqueue_indirect_dma source(%arg10 : memref<128x128xf32, #tpu.memory_space<vmem>>) target(%dma_start3A_80 : memref<10000x128xf32, #tpu.memory_space<vmem_shared>>) offsets(%arg8 : memref<128xi32, #tpu.memory_space<vmem>>) semaphore(%arg20 : memref<!tpu.dma_semaphore, #tpu.memory_space<semaphore_mem>>) {add = true}
      %lt3A = arith.constant 38 : i32
      %lt3A_81 = arith.cmpi slt, %scan3A_45, %lt3A : i32
      %convert_element_type3A_82 = arith.extui %lt3A_81 : i1 to i32
      %cond3A_83 = arith.constant 0 : i32
      %cond3A_84 = arith.cmpi ne, %convert_element_type3A_82, %cond3A_83 : i32
      scf.if %cond3A_84 {
        %dma_wait3A_99 = arith.constant 0 : i32
        %dma_wait3A_100 = arith.constant 0 : i32
        %dma_wait3A_101 = tpu.memref_slice %arg15[%dma_wait3A_99, %dma_wait3A_100] : memref<10000x128xf32, #tpu.memory_space<vmem_shared>> -> memref<10000x128xf32, #tpu.memory_space<vmem_shared>>
        tpu.wait_indirect_dma semaphore(%arg20 : memref<!tpu.dma_semaphore, #tpu.memory_space<semaphore_mem>>) src(%arg10 : memref<128x128xf32, #tpu.memory_space<vmem>>) dst(%dma_wait3A_101 : memref<10000x128xf32, #tpu.memory_space<vmem_shared>>)
        %add3A_102 = arith.constant 2 : i32
        %add3A_103 = arith.addi %mul3A_47, %add3A_102 : i32
        %mul3A_104 = arith.constant 128 : i32
        %mul3A_105 = arith.muli %add3A_103, %mul3A_104 : i32
        %add3A_106 = arith.addi %mul3A_6, %mul3A_105 : i32
        %dma_start3A_107 = tpu.memref_slice %arg4[%add3A_106] : memref<320000xi32, #tpu.memory_space<hbm>> -> memref<128xi32, #tpu.memory_space<hbm>>
        %dma_start3A_108 = tpu.memref_slice %arg4[%add3A_106] : memref<320000xi32, #tpu.memory_space<hbm>> -> memref<128xi32, #tpu.memory_space<hbm>>
        tpu.enqueue_dma source(%dma_start3A_108 : memref<128xi32, #tpu.memory_space<hbm>>) target(%arg8 : memref<128xi32, #tpu.memory_space<vmem>>) target_semaphore(%arg16 : memref<!tpu.dma_semaphore, #tpu.memory_space<semaphore_mem>>)
        %add3A_109 = arith.constant 2 : i32
        %add3A_110 = arith.addi %mul3A_47, %add3A_109 : i32
        %mul3A_111 = arith.constant 128 : i32
        %mul3A_112 = arith.muli %add3A_110, %mul3A_111 : i32
        %dma_start3A_113 = tpu.memref_slice %arg7[%mul3A_112] : memref<9984xi32, #tpu.memory_space<vmem>> -> memref<128xi32, #tpu.memory_space<vmem>>
        %dma_start3A_114 = arith.constant 0 : i32
        %dma_start3A_115 = arith.constant 0 : i32
        %dma_start3A_116 = tpu.memref_slice %arg2[%dma_start3A_114, %dma_start3A_115] : memref<10000x128xf32, #tpu.memory_space<hbm>> -> memref<10000x128xf32, #tpu.memory_space<hbm>>
        tpu.enqueue_indirect_dma source(%dma_start3A_116 : memref<10000x128xf32, #tpu.memory_space<hbm>>) target(%arg10 : memref<128x128xf32, #tpu.memory_space<vmem>>) offsets(%dma_start3A_113 : memref<128xi32, #tpu.memory_space<vmem>>) semaphore(%arg18 : memref<!tpu.dma_semaphore, #tpu.memory_space<semaphore_mem>>)
      } else {
      }
      %mul3A_85 = arith.constant 128 : i32
      %mul3A_86 = arith.muli %add3A_51, %mul3A_85 : i32
      %dma_wait3A_87 = tpu.memref_slice %arg7[%mul3A_86] : memref<9984xi32, #tpu.memory_space<vmem>> -> memref<128xi32, #tpu.memory_space<vmem>>
      %dma_wait3A_88 = arith.constant 0 : i32
      %dma_wait3A_89 = arith.constant 0 : i32
      %dma_wait3A_90 = tpu.memref_slice %arg2[%dma_wait3A_88, %dma_wait3A_89] : memref<10000x128xf32, #tpu.memory_space<hbm>> -> memref<10000x128xf32, #tpu.memory_space<hbm>>
      tpu.wait_indirect_dma semaphore(%arg19 : memref<!tpu.dma_semaphore, #tpu.memory_space<semaphore_mem>>) src(%dma_wait3A_90 : memref<10000x128xf32, #tpu.memory_space<hbm>>) dst(%arg11 : memref<128x128xf32, #tpu.memory_space<vmem>>)
      %mul3A_91 = arith.constant 128 : i32
      %mul3A_92 = arith.muli %add3A_51, %mul3A_91 : i32
      %add3A_93 = arith.addi %mul3A_6, %mul3A_92 : i32
      %dma_wait3A_94 = tpu.memref_slice %arg4[%add3A_93] : memref<320000xi32, #tpu.memory_space<hbm>> -> memref<128xi32, #tpu.memory_space<hbm>>
      %dma_wait3A_95 = tpu.memref_slice %arg4[%add3A_93] : memref<320000xi32, #tpu.memory_space<hbm>> -> memref<128xi32, #tpu.memory_space<hbm>>
      tpu.wait_dma2 semaphore(%arg17 : memref<!tpu.dma_semaphore, #tpu.memory_space<semaphore_mem>>) src(%dma_wait3A_95 : memref<128xi32, #tpu.memory_space<hbm>>) dst(%arg9 : memref<128xi32, #tpu.memory_space<vmem>>)
      %dma_start3A_96 = arith.constant 0 : i32
      %dma_start3A_97 = arith.constant 0 : i32
      %dma_start3A_98 = tpu.memref_slice %arg15[%dma_start3A_96, %dma_start3A_97] : memref<10000x128xf32, #tpu.memory_space<vmem_shared>> -> memref<10000x128xf32, #tpu.memory_space<vmem_shared>>
      tpu.enqueue_indirect_dma source(%arg11 : memref<128x128xf32, #tpu.memory_space<vmem>>) target(%dma_start3A_98 : memref<10000x128xf32, #tpu.memory_space<vmem_shared>>) offsets(%arg9 : memref<128xi32, #tpu.memory_space<vmem>>) semaphore(%arg21 : memref<!tpu.dma_semaphore, #tpu.memory_space<semaphore_mem>>) {add = true}
    }
    %scan3A_19 = arith.constant 39 : i32
    %dma_wait3A = arith.constant 0 : i32
    %dma_wait3A_20 = arith.constant 0 : i32
    %dma_wait3A_21 = tpu.memref_slice %arg15[%dma_wait3A, %dma_wait3A_20] : memref<10000x128xf32, #tpu.memory_space<vmem_shared>> -> memref<10000x128xf32, #tpu.memory_space<vmem_shared>>
    tpu.wait_indirect_dma semaphore(%arg20 : memref<!tpu.dma_semaphore, #tpu.memory_space<semaphore_mem>>) src(%arg10 : memref<128x128xf32, #tpu.memory_space<vmem>>) dst(%dma_wait3A_21 : memref<10000x128xf32, #tpu.memory_space<vmem_shared>>)
    %dma_wait3A_22 = arith.constant 0 : i32
    %dma_wait3A_23 = arith.constant 0 : i32
    %dma_wait3A_24 = tpu.memref_slice %arg15[%dma_wait3A_22, %dma_wait3A_23] : memref<10000x128xf32, #tpu.memory_space<vmem_shared>> -> memref<10000x128xf32, #tpu.memory_space<vmem_shared>>
    tpu.wait_indirect_dma semaphore(%arg21 : memref<!tpu.dma_semaphore, #tpu.memory_space<semaphore_mem>>) src(%arg11 : memref<128x128xf32, #tpu.memory_space<vmem>>) dst(%dma_wait3A_24 : memref<10000x128xf32, #tpu.memory_space<vmem_shared>>)
    %add3A_25 = arith.constant 9984 : i32
    %add3A_26 = arith.addi %mul3A_6, %add3A_25 : i32
    "tpu.region"() ({
      %run_scoped3A = tpu.sem_alloc : memref<!tpu.dma_semaphore, #tpu.memory_space<semaphore_mem>>
      %dma_start3A_45 = tpu.memref_slice %arg3[%add3A_26] : memref<320000xi32, #tpu.memory_space<hbm>> -> memref<16xi32, #tpu.memory_space<hbm>>
      %dma_start3A_46 = tpu.memref_slice %arg3[%add3A_26] : memref<320000xi32, #tpu.memory_space<hbm>> -> memref<16xi32, #tpu.memory_space<hbm>>
      tpu.enqueue_dma source(%dma_start3A_46 : memref<16xi32, #tpu.memory_space<hbm>>) target(%arg12 : memref<16xi32, #tpu.memory_space<vmem>>) target_semaphore(%run_scoped3A : memref<!tpu.dma_semaphore, #tpu.memory_space<semaphore_mem>>)
      %dma_wait3A_47 = tpu.memref_slice %arg3[%add3A_26] : memref<320000xi32, #tpu.memory_space<hbm>> -> memref<16xi32, #tpu.memory_space<hbm>>
      %dma_wait3A_48 = tpu.memref_slice %arg3[%add3A_26] : memref<320000xi32, #tpu.memory_space<hbm>> -> memref<16xi32, #tpu.memory_space<hbm>>
      tpu.wait_dma2 semaphore(%run_scoped3A : memref<!tpu.dma_semaphore, #tpu.memory_space<semaphore_mem>>) src(%dma_wait3A_48 : memref<16xi32, #tpu.memory_space<hbm>>) dst(%arg12 : memref<16xi32, #tpu.memory_space<vmem>>)
      tpu.yield
    }) : () -> ()
    %add3A_27 = arith.constant 9984 : i32
    %add3A_28 = arith.addi %mul3A_6, %add3A_27 : i32
    "tpu.region"() ({
      %run_scoped3A = tpu.sem_alloc : memref<!tpu.dma_semaphore, #tpu.memory_space<semaphore_mem>>
      %dma_start3A_45 = tpu.memref_slice %arg4[%add3A_28] : memref<320000xi32, #tpu.memory_space<hbm>> -> memref<16xi32, #tpu.memory_space<hbm>>
      %dma_start3A_46 = tpu.memref_slice %arg4[%add3A_28] : memref<320000xi32, #tpu.memory_space<hbm>> -> memref<16xi32, #tpu.memory_space<hbm>>
      tpu.enqueue_dma source(%dma_start3A_46 : memref<16xi32, #tpu.memory_space<hbm>>) target(%arg13 : memref<16xi32, #tpu.memory_space<vmem>>) target_semaphore(%run_scoped3A : memref<!tpu.dma_semaphore, #tpu.memory_space<semaphore_mem>>)
      %dma_wait3A_47 = tpu.memref_slice %arg4[%add3A_28] : memref<320000xi32, #tpu.memory_space<hbm>> -> memref<16xi32, #tpu.memory_space<hbm>>
      %dma_wait3A_48 = tpu.memref_slice %arg4[%add3A_28] : memref<320000xi32, #tpu.memory_space<hbm>> -> memref<16xi32, #tpu.memory_space<hbm>>
      tpu.wait_dma2 semaphore(%run_scoped3A : memref<!tpu.dma_semaphore, #tpu.memory_space<semaphore_mem>>) src(%dma_wait3A_48 : memref<16xi32, #tpu.memory_space<hbm>>) dst(%arg13 : memref<16xi32, #tpu.memory_space<vmem>>)
      tpu.yield
    }) : () -> ()
    %dma_start3A_29 = arith.constant 0 : i32
    %dma_start3A_30 = arith.constant 0 : i32
    %dma_start3A_31 = tpu.memref_slice %arg2[%dma_start3A_29, %dma_start3A_30] : memref<10000x128xf32, #tpu.memory_space<hbm>> -> memref<10000x128xf32, #tpu.memory_space<hbm>>
    tpu.enqueue_indirect_dma source(%dma_start3A_31 : memref<10000x128xf32, #tpu.memory_space<hbm>>) target(%arg14 : memref<16x128xf32, #tpu.memory_space<vmem>>) offsets(%arg12 : memref<16xi32, #tpu.memory_space<vmem>>) semaphore(%arg18 : memref<!tpu.dma_semaphore, #tpu.memory_space<semaphore_mem>>)
    %dma_wait3A_32 = arith.constant 0 : i32
    %dma_wait3A_33 = arith.constant 0 : i32
    %dma_wait3A_34 = tpu.memref_slice %arg2[%dma_wait3A_32, %dma_wait3A_33] : memref<10000x128xf32, #tpu.memory_space<hbm>> -> memref<10000x128xf32, #tpu.memory_space<hbm>>
    tpu.wait_indirect_dma semaphore(%arg18 : memref<!tpu.dma_semaphore, #tpu.memory_space<semaphore_mem>>) src(%dma_wait3A_34 : memref<10000x128xf32, #tpu.memory_space<hbm>>) dst(%arg14 : memref<16x128xf32, #tpu.memory_space<vmem>>)
    "tpu.region"() ({
      %run_scoped3A = tpu.sem_alloc : memref<!tpu.dma_semaphore, #tpu.memory_space<semaphore_mem>>
      %dma_start3A_45 = arith.constant 0 : i32
      %dma_start3A_46 = arith.constant 0 : i32
      %dma_start3A_47 = tpu.memref_slice %arg15[%dma_start3A_45, %dma_start3A_46] : memref<10000x128xf32, #tpu.memory_space<vmem_shared>> -> memref<10000x128xf32, #tpu.memory_space<vmem_shared>>
      tpu.enqueue_indirect_dma source(%arg14 : memref<16x128xf32, #tpu.memory_space<vmem>>) target(%dma_start3A_47 : memref<10000x128xf32, #tpu.memory_space<vmem_shared>>) offsets(%arg13 : memref<16xi32, #tpu.memory_space<vmem>>) semaphore(%run_scoped3A : memref<!tpu.dma_semaphore, #tpu.memory_space<semaphore_mem>>) {add = true}
      %dma_wait3A_48 = arith.constant 0 : i32
      %dma_wait3A_49 = arith.constant 0 : i32
      %dma_wait3A_50 = tpu.memref_slice %arg15[%dma_wait3A_48, %dma_wait3A_49] : memref<10000x128xf32, #tpu.memory_space<vmem_shared>> -> memref<10000x128xf32, #tpu.memory_space<vmem_shared>>
      tpu.wait_indirect_dma semaphore(%run_scoped3A : memref<!tpu.dma_semaphore, #tpu.memory_space<semaphore_mem>>) src(%arg14 : memref<16x128xf32, #tpu.memory_space<vmem>>) dst(%dma_wait3A_50 : memref<10000x128xf32, #tpu.memory_space<vmem_shared>>)
      tpu.yield
    }) : () -> ()
    %barrier3A_35 = arith.constant 0 : index
    tpu.barrier barrier_id(%barrier3A_35)
    %mul3A_36 = arith.constant 624 : i32
    %mul3A_37 = arith.muli %arg1, %mul3A_36 : i32
    %mul3A_38 = arith.constant 624 : i32
    %mul3A_39 = arith.muli %arg1, %mul3A_38 : i32
    "tpu.region"() ({
      %run_scoped3A = tpu.sem_alloc : memref<!tpu.dma_semaphore, #tpu.memory_space<semaphore_mem>>
      %dma_start3A_45 = arith.constant 0 : i32
      %dma_start3A_46 = tpu.memref_slice %arg6[%arg0, %mul3A_39, %dma_start3A_45] : memref<2x10000x128xf32, #tpu.memory_space<hbm>> -> memref<1x624x128xf32, #tpu.memory_space<hbm>>
      %dma_start3A_47 = tpu.memref_squeeze %dma_start3A_46 : memref<1x624x128xf32, #tpu.memory_space<hbm>> -> memref<624x128xf32, #tpu.memory_space<hbm>>
      %dma_start3A_48 = arith.constant 0 : i32
      %dma_start3A_49 = tpu.memref_slice %arg15[%mul3A_37, %dma_start3A_48] : memref<10000x128xf32, #tpu.memory_space<vmem_shared>> -> memref<624x128xf32, #tpu.memory_space<vmem_shared>>
      tpu.enqueue_dma source(%dma_start3A_49 : memref<624x128xf32, #tpu.memory_space<vmem_shared>>) target(%dma_start3A_47 : memref<624x128xf32, #tpu.memory_space<hbm>>) target_semaphore(%run_scoped3A : memref<!tpu.dma_semaphore, #tpu.memory_space<semaphore_mem>>)
      %dma_wait3A_50 = arith.constant 0 : i32
      %dma_wait3A_51 = tpu.memref_slice %arg6[%arg0, %mul3A_39, %dma_wait3A_50] : memref<2x10000x128xf32, #tpu.memory_space<hbm>> -> memref<1x624x128xf32, #tpu.memory_space<hbm>>
      %dma_wait3A_52 = tpu.memref_squeeze %dma_wait3A_51 : memref<1x624x128xf32, #tpu.memory_space<hbm>> -> memref<624x128xf32, #tpu.memory_space<hbm>>
      %dma_wait3A_53 = arith.constant 0 : i32
      %dma_wait3A_54 = tpu.memref_slice %arg15[%mul3A_37, %dma_wait3A_53] : memref<10000x128xf32, #tpu.memory_space<vmem_shared>> -> memref<624x128xf32, #tpu.memory_space<vmem_shared>>
      tpu.wait_dma2 semaphore(%run_scoped3A : memref<!tpu.dma_semaphore, #tpu.memory_space<semaphore_mem>>) src(%dma_wait3A_54 : memref<624x128xf32, #tpu.memory_space<vmem_shared>>) dst(%dma_wait3A_52 : memref<624x128xf32, #tpu.memory_space<hbm>>)
      tpu.yield
    }) : () -> ()
    %eq3A_40 = arith.constant 15 : i32
    %eq3A_41 = arith.cmpi eq, %arg1, %eq3A_40 : i32
    %convert_element_type3A_42 = arith.extui %eq3A_41 : i1 to i32
    %cond3A_43 = arith.constant 0 : i32
    %cond3A_44 = arith.cmpi ne, %convert_element_type3A_42, %cond3A_43 : i32
    scf.if %cond3A_44 {
      "tpu.region"() ({
        %run_scoped3A = tpu.sem_alloc : memref<!tpu.dma_semaphore, #tpu.memory_space<semaphore_mem>>
        %dma_start3A_45 = arith.constant 9984 : i32
        %dma_start3A_46 = arith.constant 0 : i32
        %dma_start3A_47 = tpu.memref_slice %arg6[%arg0, %dma_start3A_45, %dma_start3A_46] : memref<2x10000x128xf32, #tpu.memory_space<hbm>> -> memref<1x16x128xf32, #tpu.memory_space<hbm>>
        %dma_start3A_48 = tpu.memref_squeeze %dma_start3A_47 : memref<1x16x128xf32, #tpu.memory_space<hbm>> -> memref<16x128xf32, #tpu.memory_space<hbm>>
        %dma_start3A_49 = arith.constant 9984 : i32
        %dma_start3A_50 = arith.constant 0 : i32
        %dma_start3A_51 = tpu.memref_slice %arg15[%dma_start3A_49, %dma_start3A_50] : memref<10000x128xf32, #tpu.memory_space<vmem_shared>> -> memref<16x128xf32, #tpu.memory_space<vmem_shared>>
        tpu.enqueue_dma source(%dma_start3A_51 : memref<16x128xf32, #tpu.memory_space<vmem_shared>>) target(%dma_start3A_48 : memref<16x128xf32, #tpu.memory_space<hbm>>) target_semaphore(%run_scoped3A : memref<!tpu.dma_semaphore, #tpu.memory_space<semaphore_mem>>)
        %dma_wait3A_52 = arith.constant 9984 : i32
        %dma_wait3A_53 = arith.constant 0 : i32
        %dma_wait3A_54 = tpu.memref_slice %arg6[%arg0, %dma_wait3A_52, %dma_wait3A_53] : memref<2x10000x128xf32, #tpu.memory_space<hbm>> -> memref<1x16x128xf32, #tpu.memory_space<hbm>>
        %dma_wait3A_55 = tpu.memref_squeeze %dma_wait3A_54 : memref<1x16x128xf32, #tpu.memory_space<hbm>> -> memref<16x128xf32, #tpu.memory_space<hbm>>
        %dma_wait3A_56 = arith.constant 9984 : i32
        %dma_wait3A_57 = arith.constant 0 : i32
        %dma_wait3A_58 = tpu.memref_slice %arg15[%dma_wait3A_56, %dma_wait3A_57] : memref<10000x128xf32, #tpu.memory_space<vmem_shared>> -> memref<16x128xf32, #tpu.memory_space<vmem_shared>>
        tpu.wait_dma2 semaphore(%run_scoped3A : memref<!tpu.dma_semaphore, #tpu.memory_space<semaphore_mem>>) src(%dma_wait3A_58 : memref<16x128xf32, #tpu.memory_space<vmem_shared>>) dst(%dma_wait3A_55 : memref<16x128xf32, #tpu.memory_space<hbm>>)
        tpu.yield
      }) : () -> ()
    } else {
    }
    return
  }
}

module attributes {stable_mosaic.version = 14 : i64} {
  func.func @_edges_body(%arg0: memref<2x320000xi32, #tpu.memory_space<vmem>>, %arg1: memref<320000xi32, #tpu.memory_space<vmem>>, %arg2: memref<320000xi32, #tpu.memory_space<vmem>>) attributes {dimension_semantics = [], scalar_prefetch = 0 : i64, scratch_operands = 0 : i64, tpu.core_type = #tpu.core_type<tc>} {
    %get3A = arith.constant 0 : index
    %get3A_0 = arith.constant 0 : index
    %get3A_1 = vector.load %arg0[%get3A, %get3A_0] : memref<2x320000xi32, #tpu.memory_space<vmem>>, vector<1x320000xi32>
    %get3A_2 = vector.shape_cast %get3A_1 : vector<1x320000xi32> to vector<320000xi32>
    %swap3A = arith.constant 0 : index
    %swap3A_3 = vector.load %arg1[%swap3A] : memref<320000xi32, #tpu.memory_space<vmem>>, vector<320000xi32>
    tpu.vector_store %arg1[%swap3A], %get3A_2 {strides = array<i32>} : memref<320000xi32, #tpu.memory_space<vmem>>, vector<320000xi32>,
    %get3A_4 = arith.constant 1 : index
    %get3A_5 = arith.constant 0 : index
    %get3A_6 = vector.load %arg0[%get3A_4, %get3A_5] : memref<2x320000xi32, #tpu.memory_space<vmem>>, vector<1x320000xi32>
    %get3A_7 = vector.shape_cast %get3A_6 : vector<1x320000xi32> to vector<320000xi32>
    %swap3A_8 = arith.constant 0 : index
    %swap3A_9 = vector.load %arg2[%swap3A_8] : memref<320000xi32, #tpu.memory_space<vmem>>, vector<320000xi32>
    tpu.vector_store %arg2[%swap3A_8], %get3A_7 {strides = array<i32>} : memref<320000xi32, #tpu.memory_space<vmem>>, vector<320000xi32>,
    return
  }
}

module attributes {stable_mosaic.version = 14 : i64} {
  func.func @_norm_body(%arg0: i32, %arg1: memref<5000x128xf32, #tpu.memory_space<vmem>>, %arg2: memref<2x128xf32, #tpu.memory_space<vmem>>, %arg3: memref<1x128xf32, #tpu.memory_space<vmem>>, %arg4: memref<1x128xf32, #tpu.memory_space<vmem>>, %arg5: memref<5000x128xf32, #tpu.memory_space<vmem>>) attributes {dimension_semantics = [#tpu.dimension_semantics<arbitrary>], iteration_bounds = array<i64: 2>, scalar_prefetch = 0 : i64, scratch_operands = 0 : i64, tpu.core_type = #tpu.core_type<tc>, window_params = [{transform_indices = @transform_0, window_bounds = array<i64: 5000, 128>}, {pipeline_mode = #tpu.pipeline_mode<synchronous>, transform_indices = @transform_1, window_bounds = array<i64: 2, 128>}, {pipeline_mode = #tpu.pipeline_mode<synchronous>, transform_indices = @transform_2, window_bounds = array<i64: 1, 128>}, {pipeline_mode = #tpu.pipeline_mode<synchronous>, transform_indices = @transform_3, window_bounds = array<i64: 1, 128>}, {transform_indices = @transform_4, window_bounds = array<i64: 5000, 128>}]} {
    %get3A = arith.constant 0 : index
    %get3A_0 = arith.constant 0 : index
    %get3A_1 = vector.load %arg2[%get3A, %get3A_0] : memref<2x128xf32, #tpu.memory_space<vmem>>, vector<1x128xf32>
    %div3A = arith.constant 1.000000e+04 : f32
    %div3A_2 = vector.broadcast %div3A : f32 to vector<1x128xf32>
    %div3A_3 = arith.divf %get3A_1, %div3A_2 : vector<1x128xf32>
    %get3A_4 = arith.constant 1 : index
    %get3A_5 = arith.constant 0 : index
    %get3A_6 = vector.load %arg2[%get3A_4, %get3A_5] : memref<2x128xf32, #tpu.memory_space<vmem>>, vector<1x128xf32>
    %div3A_7 = arith.constant 1.000000e+04 : f32
    %div3A_8 = vector.broadcast %div3A_7 : f32 to vector<1x128xf32>
    %div3A_9 = arith.divf %get3A_6, %div3A_8 : vector<1x128xf32>
    %mul3A = arith.mulf %div3A_3, %div3A_3 : vector<1x128xf32>
    %sub3A = arith.subf %div3A_9, %mul3A : vector<1x128xf32>
    %add3A = arith.constant 9.99999974E-6 : f32
    %add3A_10 = vector.broadcast %add3A : f32 to vector<1x128xf32>
    %add3A_11 = arith.addf %sub3A, %add3A_10 : vector<1x128xf32>
    %rsqrt3A = math.rsqrt %add3A_11 : vector<1x128xf32>
    %get3A_12 = arith.constant 0 : index
    %get3A_13 = arith.constant 0 : index
    %get3A_14 = vector.load %arg1[%get3A_12, %get3A_13] : memref<5000x128xf32, #tpu.memory_space<vmem>>, vector<5000x128xf32>
    %sub3A_15 = vector.broadcast %div3A_3 : vector<1x128xf32> to vector<5000x128xf32>
    %sub3A_16 = arith.subf %get3A_14, %sub3A_15 : vector<5000x128xf32>
    %mul3A_17 = vector.broadcast %rsqrt3A : vector<1x128xf32> to vector<5000x128xf32>
    %mul3A_18 = arith.mulf %sub3A_16, %mul3A_17 : vector<5000x128xf32>
    %get3A_19 = arith.constant 0 : index
    %get3A_20 = arith.constant 0 : index
    %get3A_21 = vector.load %arg3[%get3A_19, %get3A_20] : memref<1x128xf32, #tpu.memory_space<vmem>>, vector<1x128xf32>
    %mul3A_22 = vector.broadcast %get3A_21 : vector<1x128xf32> to vector<5000x128xf32>
    %mul3A_23 = arith.mulf %mul3A_18, %mul3A_22 : vector<5000x128xf32>
    %get3A_24 = arith.constant 0 : index
    %get3A_25 = arith.constant 0 : index
    %get3A_26 = vector.load %arg4[%get3A_24, %get3A_25] : memref<1x128xf32, #tpu.memory_space<vmem>>, vector<1x128xf32>
    %add3A_27 = vector.broadcast %get3A_26 : vector<1x128xf32> to vector<5000x128xf32>
    %add3A_28 = arith.addf %mul3A_23, %add3A_27 : vector<5000x128xf32>
    %swap3A = arith.constant 0 : index
    %swap3A_29 = arith.constant 0 : index
    %swap3A_30 = vector.load %arg5[%swap3A, %swap3A_29] : memref<5000x128xf32, #tpu.memory_space<vmem>>, vector<5000x128xf32>
    tpu.vector_store %arg5[%swap3A, %swap3A_29], %add3A_28 {strides = array<i32>} : memref<5000x128xf32, #tpu.memory_space<vmem>>, vector<5000x128xf32>,
    return
  }
  func.func @transform_0(%arg0: i32) -> (i32, i32) {
    %c0_i32 = arith.constant 0 : i32
    %c0_i32_0 = arith.constant 0 : i32
    return %arg0, %c0_i32 : i32, i32
  }
  func.func @transform_1(%arg0: i32) -> (i32, i32) {
    %c0_i32 = arith.constant 0 : i32
    %c0_i32_0 = arith.constant 0 : i32
    %c0_i32_1 = arith.constant 0 : i32
    return %c0_i32, %c0_i32_0 : i32, i32
  }
  func.func @transform_2(%arg0: i32) -> (i32, i32) {
    %c0_i32 = arith.constant 0 : i32
    %c0_i32_0 = arith.constant 0 : i32
    %c0_i32_1 = arith.constant 0 : i32
    return %c0_i32, %c0_i32_0 : i32, i32
  }
  func.func @transform_3(%arg0: i32) -> (i32, i32) {
    %c0_i32 = arith.constant 0 : i32
    %c0_i32_0 = arith.constant 0 : i32
    %c0_i32_1 = arith.constant 0 : i32
    return %c0_i32, %c0_i32_0 : i32, i32
  }
  func.func @transform_4(%arg0: i32) -> (i32, i32) {
    %c0_i32 = arith.constant 0 : i32
    %c0_i32_0 = arith.constant 0 : i32
    return %arg0, %c0_i32 : i32, i32
  }
}

module attributes {stable_mosaic.version = 14 : i64} {
  func.func @_mlp_body(%arg0: i32, %arg1: memref<5000x128xf32, #tpu.memory_space<vmem>>, %arg2: memref<2x5000x128xf32, #tpu.memory_space<vmem>>, %arg3: memref<128x128xf32, #tpu.memory_space<vmem>>, %arg4: memref<1x128xf32, #tpu.memory_space<vmem>>, %arg5: memref<128x128xf32, #tpu.memory_space<vmem>>, %arg6: memref<1x128xf32, #tpu.memory_space<vmem>>, %arg7: memref<5000x128xf32, #tpu.memory_space<vmem>>, %arg8: memref<2x128xf32, #tpu.memory_space<vmem>>, %arg9: memref<2x128xf32, #tpu.memory_space<vmem>>) attributes {dimension_semantics = [#tpu.dimension_semantics<arbitrary>], iteration_bounds = array<i64: 2>, scalar_prefetch = 0 : i64, scratch_operands = 1 : i64, tpu.core_type = #tpu.core_type<tc>, window_params = [{transform_indices = @transform_0, window_bounds = array<i64: 5000, 128>}, {transform_indices = @transform_1, window_bounds = array<i64: 2, 5000, 128>}, {pipeline_mode = #tpu.pipeline_mode<synchronous>, transform_indices = @transform_2, window_bounds = array<i64: 128, 128>}, {pipeline_mode = #tpu.pipeline_mode<synchronous>, transform_indices = @transform_3, window_bounds = array<i64: 1, 128>}, {pipeline_mode = #tpu.pipeline_mode<synchronous>, transform_indices = @transform_4, window_bounds = array<i64: 128, 128>}, {pipeline_mode = #tpu.pipeline_mode<synchronous>, transform_indices = @transform_5, window_bounds = array<i64: 1, 128>}, {transform_indices = @transform_6, window_bounds = array<i64: 5000, 128>}, {pipeline_mode = #tpu.pipeline_mode<synchronous>, transform_indices = @transform_7, window_bounds = array<i64: 2, 128>}]} {
    %get3A = arith.constant 0 : index
    %get3A_0 = arith.constant 0 : index
    %get3A_1 = vector.load %arg1[%get3A, %get3A_0] : memref<5000x128xf32, #tpu.memory_space<vmem>>, vector<5000x128xf32>
    %get3A_2 = arith.constant 0 : index
    %get3A_3 = arith.constant 0 : index
    %get3A_4 = arith.constant 0 : index
    %get3A_5 = vector.load %arg2[%get3A_2, %get3A_3, %get3A_4] : memref<2x5000x128xf32, #tpu.memory_space<vmem>>, vector<1x5000x128xf32>
    %get3A_6 = vector.shape_cast %get3A_5 : vector<1x5000x128xf32> to vector<5000x128xf32>
    %add3A = arith.addf %get3A_1, %get3A_6 : vector<5000x128xf32>
    %get3A_7 = arith.constant 1 : index
    %get3A_8 = arith.constant 0 : index
    %get3A_9 = arith.constant 0 : index
    %get3A_10 = vector.load %arg2[%get3A_7, %get3A_8, %get3A_9] : memref<2x5000x128xf32, #tpu.memory_space<vmem>>, vector<1x5000x128xf32>
    %get3A_11 = vector.shape_cast %get3A_10 : vector<1x5000x128xf32> to vector<5000x128xf32>
    %add3A_12 = arith.addf %add3A, %get3A_11 : vector<5000x128xf32>
    %get3A_13 = arith.constant 0 : index
    %get3A_14 = arith.constant 0 : index
    %get3A_15 = vector.load %arg3[%get3A_13, %get3A_14] : memref<128x128xf32, #tpu.memory_space<vmem>>, vector<128x128xf32>
    %dot_general3A = arith.constant dense<0.000000e+00> : vector<5000x128xf32>
    %dot_general3A_16 = tpu.matmul %add3A_12, %get3A_15, %dot_general3A {dimension_numbers = #tpu.dot_dimension_numbers<[1], [0], [0], [1], [0, 0, 1, 1], [], []>, transpose_lhs_hint = false} : vector<5000x128xf32>, vector<128x128xf32>, vector<5000x128xf32> -> vector<5000x128xf32>
    %get3A_17 = arith.constant 0 : index
    %get3A_18 = arith.constant 0 : index
    %get3A_19 = vector.load %arg4[%get3A_17, %get3A_18] : memref<1x128xf32, #tpu.memory_space<vmem>>, vector<1x128xf32>
    %add3A_20 = vector.broadcast %get3A_19 : vector<1x128xf32> to vector<5000x128xf32>
    %add3A_21 = arith.addf %dot_general3A_16, %add3A_20 : vector<5000x128xf32>
    %max3A = arith.constant 0.000000e+00 : f32
    %max3A_22 = vector.broadcast %max3A : f32 to vector<5000x128xf32>
    %max3A_23 = arith.maximumf %add3A_21, %max3A_22 : vector<5000x128xf32>
    %get3A_24 = arith.constant 0 : index
    %get3A_25 = arith.constant 0 : index
    %get3A_26 = vector.load %arg5[%get3A_24, %get3A_25] : memref<128x128xf32, #tpu.memory_space<vmem>>, vector<128x128xf32>
    %dot_general3A_27 = arith.constant dense<0.000000e+00> : vector<5000x128xf32>
    %dot_general3A_28 = tpu.matmul %max3A_23, %get3A_26, %dot_general3A_27 {dimension_numbers = #tpu.dot_dimension_numbers<[1], [0], [0], [1], [0, 0, 1, 1], [], []>, transpose_lhs_hint = false} : vector<5000x128xf32>, vector<128x128xf32>, vector<5000x128xf32> -> vector<5000x128xf32>
    %get3A_29 = arith.constant 0 : index
    %get3A_30 = arith.constant 0 : index
    %get3A_31 = vector.load %arg6[%get3A_29, %get3A_30] : memref<1x128xf32, #tpu.memory_space<vmem>>, vector<1x128xf32>
    %add3A_32 = vector.broadcast %get3A_31 : vector<1x128xf32> to vector<5000x128xf32>
    %add3A_33 = arith.addf %dot_general3A_28, %add3A_32 : vector<5000x128xf32>
    %max3A_34 = arith.constant 0.000000e+00 : f32
    %max3A_35 = vector.broadcast %max3A_34 : f32 to vector<5000x128xf32>
    %max3A_36 = arith.maximumf %add3A_33, %max3A_35 : vector<5000x128xf32>
    %swap3A = arith.constant 0 : index
    %swap3A_37 = arith.constant 0 : index
    %swap3A_38 = vector.load %arg7[%swap3A, %swap3A_37] : memref<5000x128xf32, #tpu.memory_space<vmem>>, vector<5000x128xf32>
    tpu.vector_store %arg7[%swap3A, %swap3A_37], %max3A_36 {strides = array<i32>} : memref<5000x128xf32, #tpu.memory_space<vmem>>, vector<5000x128xf32>,
    %eq3A = arith.constant 0 : i32
    %eq3A_39 = arith.cmpi eq, %arg0, %eq3A : i32
    %convert_element_type3A = arith.extui %eq3A_39 : i1 to i32
    %cond3A = arith.constant 0 : i32
    %cond3A_40 = arith.cmpi ne, %convert_element_type3A, %cond3A : i32
    scf.if %cond3A_40 {
      %broadcast_in_dim3A_57 = arith.constant 0.000000e+00 : f32
      %broadcast_in_dim3A_58 = vector.broadcast %broadcast_in_dim3A_57 : f32 to vector<2x128xf32>
      %swap3A_59 = arith.constant 0 : index
      %swap3A_60 = arith.constant 0 : index
      %swap3A_61 = vector.load %arg9[%swap3A_59, %swap3A_60] : memref<2x128xf32, #tpu.memory_space<vmem>>, vector<2x128xf32>
      tpu.vector_store %arg9[%swap3A_59, %swap3A_60], %broadcast_in_dim3A_58 {strides = array<i32>} : memref<2x128xf32, #tpu.memory_space<vmem>>, vector<2x128xf32>,
    } else {
    }
    %reduce_sum3A = arith.constant dense<0.000000e+00> : vector<128xf32>
    %reduce_sum3A_41 = vector.multi_reduction <add>, %max3A_36, %reduce_sum3A [0] : vector<5000x128xf32> to vector<128xf32>
    %broadcast_in_dim3A = vector.shape_cast %reduce_sum3A_41 : vector<128xf32> to vector<1x128xf32>
    %mul3A = arith.mulf %max3A_36, %max3A_36 : vector<5000x128xf32>
    %reduce_sum3A_42 = arith.constant dense<0.000000e+00> : vector<128xf32>
    %reduce_sum3A_43 = vector.multi_reduction <add>, %mul3A, %reduce_sum3A_42 [0] : vector<5000x128xf32> to vector<128xf32>
    %broadcast_in_dim3A_44 = vector.shape_cast %reduce_sum3A_43 : vector<128xf32> to vector<1x128xf32>
    %get3A_45 = arith.constant 0 : index
    %get3A_46 = arith.constant 0 : index
    %get3A_47 = vector.load %arg9[%get3A_45, %get3A_46] : memref<2x128xf32, #tpu.memory_space<vmem>>, vector<2x128xf32>
    %concatenate3A = tpu.concatenate %broadcast_in_dim3A, %broadcast_in_dim3A_44 in 0 : vector<1x128xf32>, vector<1x128xf32> -> vector<2x128xf32>
    %add3A_48 = arith.addf %get3A_47, %concatenate3A : vector<2x128xf32>
    %swap3A_49 = arith.constant 0 : index
    %swap3A_50 = arith.constant 0 : index
    %swap3A_51 = vector.load %arg9[%swap3A_49, %swap3A_50] : memref<2x128xf32, #tpu.memory_space<vmem>>, vector<2x128xf32>
    tpu.vector_store %arg9[%swap3A_49, %swap3A_50], %add3A_48 {strides = array<i32>} : memref<2x128xf32, #tpu.memory_space<vmem>>, vector<2x128xf32>,
    %eq3A_52 = arith.constant 1 : i32
    %eq3A_53 = arith.cmpi eq, %arg0, %eq3A_52 : i32
    %convert_element_type3A_54 = arith.extui %eq3A_53 : i1 to i32
    %cond3A_55 = arith.constant 0 : i32
    %cond3A_56 = arith.cmpi ne, %convert_element_type3A_54, %cond3A_55 : i32
    scf.if %cond3A_56 {
      %get3A_57 = arith.constant 0 : index
      %get3A_58 = arith.constant 0 : index
      %get3A_59 = vector.load %arg9[%get3A_57, %get3A_58] : memref<2x128xf32, #tpu.memory_space<vmem>>, vector<2x128xf32>
      %swap3A_60 = arith.constant 0 : index
      %swap3A_61 = arith.constant 0 : index
      %swap3A_62 = vector.load %arg8[%swap3A_60, %swap3A_61] : memref<2x128xf32, #tpu.memory_space<vmem>>, vector<2x128xf32>
      tpu.vector_store %arg8[%swap3A_60, %swap3A_61], %get3A_59 {strides = array<i32>} : memref<2x128xf32, #tpu.memory_space<vmem>>, vector<2x128xf32>,
    } else {
    }
    return
  }
  func.func @transform_0(%arg0: i32) -> (i32, i32) {
    %c0_i32 = arith.constant 0 : i32
    %c0_i32_0 = arith.constant 0 : i32
    return %arg0, %c0_i32 : i32, i32
  }
  func.func @transform_1(%arg0: i32) -> (i32, i32, i32) {
    %c0_i32 = arith.constant 0 : i32
    %c0_i32_0 = arith.constant 0 : i32
    %c0_i32_1 = arith.constant 0 : i32
    return %c0_i32, %arg0, %c0_i32_0 : i32, i32, i32
  }
  func.func @transform_2(%arg0: i32) -> (i32, i32) {
    %c0_i32 = arith.constant 0 : i32
    %c0_i32_0 = arith.constant 0 : i32
    %c0_i32_1 = arith.constant 0 : i32
    return %c0_i32, %c0_i32_0 : i32, i32
  }
  func.func @transform_3(%arg0: i32) -> (i32, i32) {
    %c0_i32 = arith.constant 0 : i32
    %c0_i32_0 = arith.constant 0 : i32
    %c0_i32_1 = arith.constant 0 : i32
    return %c0_i32, %c0_i32_0 : i32, i32
  }
  func.func @transform_4(%arg0: i32) -> (i32, i32) {
    %c0_i32 = arith.constant 0 : i32
    %c0_i32_0 = arith.constant 0 : i32
    %c0_i32_1 = arith.constant 0 : i32
    return %c0_i32, %c0_i32_0 : i32, i32
  }
  func.func @transform_5(%arg0: i32) -> (i32, i32) {
    %c0_i32 = arith.constant 0 : i32
    %c0_i32_0 = arith.constant 0 : i32
    %c0_i32_1 = arith.constant 0 : i32
    return %c0_i32, %c0_i32_0 : i32, i32
  }
  func.func @transform_6(%arg0: i32) -> (i32, i32) {
    %c0_i32 = arith.constant 0 : i32
    %c0_i32_0 = arith.constant 0 : i32
    return %arg0, %c0_i32 : i32, i32
  }
  func.func @transform_7(%arg0: i32) -> (i32, i32) {
    %c0_i32 = arith.constant 0 : i32
    %c0_i32_0 = arith.constant 0 : i32
    %c0_i32_1 = arith.constant 0 : i32
    return %c0_i32, %c0_i32_0 : i32, i32
  }
}

module attributes {stable_mosaic.version = 14 : i64} {
  func.func @_final_body(%arg0: i32, %arg1: memref<5000x128xf32, #tpu.memory_space<vmem>>, %arg2: memref<2x5000x128xf32, #tpu.memory_space<vmem>>, %arg3: memref<128x128xf32, #tpu.memory_space<vmem>>, %arg4: memref<1x128xf32, #tpu.memory_space<vmem>>, %arg5: memref<128x128xf32, #tpu.memory_space<vmem>>, %arg6: memref<1x128xf32, #tpu.memory_space<vmem>>, %arg7: memref<128x16xf32, #tpu.memory_space<vmem>>, %arg8: memref<1x16xf32, #tpu.memory_space<vmem>>, %arg9: memref<5000x16xf32, #tpu.memory_space<vmem>>) attributes {dimension_semantics = [#tpu.dimension_semantics<arbitrary>], iteration_bounds = array<i64: 2>, scalar_prefetch = 0 : i64, scratch_operands = 0 : i64, tpu.core_type = #tpu.core_type<tc>, window_params = [{transform_indices = @transform_0, window_bounds = array<i64: 5000, 128>}, {transform_indices = @transform_1, window_bounds = array<i64: 2, 5000, 128>}, {pipeline_mode = #tpu.pipeline_mode<synchronous>, transform_indices = @transform_2, window_bounds = array<i64: 128, 128>}, {pipeline_mode = #tpu.pipeline_mode<synchronous>, transform_indices = @transform_3, window_bounds = array<i64: 1, 128>}, {pipeline_mode = #tpu.pipeline_mode<synchronous>, transform_indices = @transform_4, window_bounds = array<i64: 128, 128>}, {pipeline_mode = #tpu.pipeline_mode<synchronous>, transform_indices = @transform_5, window_bounds = array<i64: 1, 128>}, {pipeline_mode = #tpu.pipeline_mode<synchronous>, transform_indices = @transform_6, window_bounds = array<i64: 128, 16>}, {pipeline_mode = #tpu.pipeline_mode<synchronous>, transform_indices = @transform_7, window_bounds = array<i64: 1, 16>}, {transform_indices = @transform_8, window_bounds = array<i64: 5000, 16>}]} {
    %get3A = arith.constant 0 : index
    %get3A_0 = arith.constant 0 : index
    %get3A_1 = vector.load %arg1[%get3A, %get3A_0] : memref<5000x128xf32, #tpu.memory_space<vmem>>, vector<5000x128xf32>
    %get3A_2 = arith.constant 0 : index
    %get3A_3 = arith.constant 0 : index
    %get3A_4 = arith.constant 0 : index
    %get3A_5 = vector.load %arg2[%get3A_2, %get3A_3, %get3A_4] : memref<2x5000x128xf32, #tpu.memory_space<vmem>>, vector<1x5000x128xf32>
    %get3A_6 = vector.shape_cast %get3A_5 : vector<1x5000x128xf32> to vector<5000x128xf32>
    %add3A = arith.addf %get3A_1, %get3A_6 : vector<5000x128xf32>
    %get3A_7 = arith.constant 1 : index
    %get3A_8 = arith.constant 0 : index
    %get3A_9 = arith.constant 0 : index
    %get3A_10 = vector.load %arg2[%get3A_7, %get3A_8, %get3A_9] : memref<2x5000x128xf32, #tpu.memory_space<vmem>>, vector<1x5000x128xf32>
    %get3A_11 = vector.shape_cast %get3A_10 : vector<1x5000x128xf32> to vector<5000x128xf32>
    %add3A_12 = arith.addf %add3A, %get3A_11 : vector<5000x128xf32>
    %get3A_13 = arith.constant 0 : index
    %get3A_14 = arith.constant 0 : index
    %get3A_15 = vector.load %arg3[%get3A_13, %get3A_14] : memref<128x128xf32, #tpu.memory_space<vmem>>, vector<128x128xf32>
    %dot_general3A = arith.constant dense<0.000000e+00> : vector<5000x128xf32>
    %dot_general3A_16 = tpu.matmul %add3A_12, %get3A_15, %dot_general3A {dimension_numbers = #tpu.dot_dimension_numbers<[1], [0], [0], [1], [0, 0, 1, 1], [], []>, transpose_lhs_hint = false} : vector<5000x128xf32>, vector<128x128xf32>, vector<5000x128xf32> -> vector<5000x128xf32>
    %get3A_17 = arith.constant 0 : index
    %get3A_18 = arith.constant 0 : index
    %get3A_19 = vector.load %arg4[%get3A_17, %get3A_18] : memref<1x128xf32, #tpu.memory_space<vmem>>, vector<1x128xf32>
    %add3A_20 = vector.broadcast %get3A_19 : vector<1x128xf32> to vector<5000x128xf32>
    %add3A_21 = arith.addf %dot_general3A_16, %add3A_20 : vector<5000x128xf32>
    %max3A = arith.constant 0.000000e+00 : f32
    %max3A_22 = vector.broadcast %max3A : f32 to vector<5000x128xf32>
    %max3A_23 = arith.maximumf %add3A_21, %max3A_22 : vector<5000x128xf32>
    %get3A_24 = arith.constant 0 : index
    %get3A_25 = arith.constant 0 : index
    %get3A_26 = vector.load %arg5[%get3A_24, %get3A_25] : memref<128x128xf32, #tpu.memory_space<vmem>>, vector<128x128xf32>
    %dot_general3A_27 = arith.constant dense<0.000000e+00> : vector<5000x128xf32>
    %dot_general3A_28 = tpu.matmul %max3A_23, %get3A_26, %dot_general3A_27 {dimension_numbers = #tpu.dot_dimension_numbers<[1], [0], [0], [1], [0, 0, 1, 1], [], []>, transpose_lhs_hint = false} : vector<5000x128xf32>, vector<128x128xf32>, vector<5000x128xf32> -> vector<5000x128xf32>
    %get3A_29 = arith.constant 0 : index
    %get3A_30 = arith.constant 0 : index
    %get3A_31 = vector.load %arg6[%get3A_29, %get3A_30] : memref<1x128xf32, #tpu.memory_space<vmem>>, vector<1x128xf32>
    %add3A_32 = vector.broadcast %get3A_31 : vector<1x128xf32> to vector<5000x128xf32>
    %add3A_33 = arith.addf %dot_general3A_28, %add3A_32 : vector<5000x128xf32>
    %max3A_34 = arith.constant 0.000000e+00 : f32
    %max3A_35 = vector.broadcast %max3A_34 : f32 to vector<5000x128xf32>
    %max3A_36 = arith.maximumf %add3A_33, %max3A_35 : vector<5000x128xf32>
    %get3A_37 = arith.constant 0 : index
    %get3A_38 = arith.constant 0 : index
    %get3A_39 = vector.load %arg7[%get3A_37, %get3A_38] : memref<128x16xf32, #tpu.memory_space<vmem>>, vector<128x16xf32>
    %dot_general3A_40 = arith.constant dense<0.000000e+00> : vector<5000x16xf32>
    %dot_general3A_41 = tpu.matmul %max3A_36, %get3A_39, %dot_general3A_40 {dimension_numbers = #tpu.dot_dimension_numbers<[1], [0], [0], [1], [0, 0, 1, 1], [], []>, transpose_lhs_hint = false} : vector<5000x128xf32>, vector<128x16xf32>, vector<5000x16xf32> -> vector<5000x16xf32>
    %get3A_42 = arith.constant 0 : index
    %get3A_43 = arith.constant 0 : index
    %get3A_44 = vector.load %arg8[%get3A_42, %get3A_43] : memref<1x16xf32, #tpu.memory_space<vmem>>, vector<1x16xf32>
    %add3A_45 = vector.broadcast %get3A_44 : vector<1x16xf32> to vector<5000x16xf32>
    %add3A_46 = arith.addf %dot_general3A_41, %add3A_45 : vector<5000x16xf32>
    %reduce_max3A = arith.constant dense<0xFF800000> : vector<5000xf32>
    %reduce_max3A_47 = vector.multi_reduction <maximumf>, %add3A_46, %reduce_max3A [1] : vector<5000x16xf32> to vector<5000xf32>
    %broadcast_in_dim3A = vector.shape_cast %reduce_max3A_47 : vector<5000xf32> to vector<5000x1xf32>
    %sub3A = vector.broadcast %broadcast_in_dim3A : vector<5000x1xf32> to vector<5000x16xf32>
    %sub3A_48 = arith.subf %add3A_46, %sub3A : vector<5000x16xf32>
    %exp3A = math.exp %sub3A_48 : vector<5000x16xf32>
    %reduce_sum3A = arith.constant dense<0.000000e+00> : vector<5000xf32>
    %reduce_sum3A_49 = vector.multi_reduction <add>, %exp3A, %reduce_sum3A [1] : vector<5000x16xf32> to vector<5000xf32>
    %broadcast_in_dim3A_50 = vector.shape_cast %reduce_sum3A_49 : vector<5000xf32> to vector<5000x1xf32>
    %log3A = math.log %broadcast_in_dim3A_50 : vector<5000x1xf32>
    %add3A_51 = arith.addf %log3A, %broadcast_in_dim3A : vector<5000x1xf32>
    %sub3A_52 = vector.broadcast %add3A_51 : vector<5000x1xf32> to vector<5000x16xf32>
    %sub3A_53 = arith.subf %add3A_46, %sub3A_52 : vector<5000x16xf32>
    %swap3A = arith.constant 0 : index
    %swap3A_54 = arith.constant 0 : index
    %swap3A_55 = vector.load %arg9[%swap3A, %swap3A_54] : memref<5000x16xf32, #tpu.memory_space<vmem>>, vector<5000x16xf32>
    tpu.vector_store %arg9[%swap3A, %swap3A_54], %sub3A_53 {strides = array<i32>} : memref<5000x16xf32, #tpu.memory_space<vmem>>, vector<5000x16xf32>,
    return
  }
  func.func @transform_0(%arg0: i32) -> (i32, i32) {
    %c0_i32 = arith.constant 0 : i32
    %c0_i32_0 = arith.constant 0 : i32
    return %arg0, %c0_i32 : i32, i32
  }
  func.func @transform_1(%arg0: i32) -> (i32, i32, i32) {
    %c0_i32 = arith.constant 0 : i32
    %c0_i32_0 = arith.constant 0 : i32
    %c0_i32_1 = arith.constant 0 : i32
    return %c0_i32, %arg0, %c0_i32_0 : i32, i32, i32
  }
  func.func @transform_2(%arg0: i32) -> (i32, i32) {
    %c0_i32 = arith.constant 0 : i32
    %c0_i32_0 = arith.constant 0 : i32
    %c0_i32_1 = arith.constant 0 : i32
    return %c0_i32, %c0_i32_0 : i32, i32
  }
  func.func @transform_3(%arg0: i32) -> (i32, i32) {
    %c0_i32 = arith.constant 0 : i32
    %c0_i32_0 = arith.constant 0 : i32
    %c0_i32_1 = arith.constant 0 : i32
    return %c0_i32, %c0_i32_0 : i32, i32
  }
  func.func @transform_4(%arg0: i32) -> (i32, i32) {
    %c0_i32 = arith.constant 0 : i32
    %c0_i32_0 = arith.constant 0 : i32
    %c0_i32_1 = arith.constant 0 : i32
    return %c0_i32, %c0_i32_0 : i32, i32
  }
  func.func @transform_5(%arg0: i32) -> (i32, i32) {
    %c0_i32 = arith.constant 0 : i32
    %c0_i32_0 = arith.constant 0 : i32
    %c0_i32_1 = arith.constant 0 : i32
    return %c0_i32, %c0_i32_0 : i32, i32
  }
  func.func @transform_6(%arg0: i32) -> (i32, i32) {
    %c0_i32 = arith.constant 0 : i32
    %c0_i32_0 = arith.constant 0 : i32
    %c0_i32_1 = arith.constant 0 : i32
    return %c0_i32, %c0_i32_0 : i32, i32
  }
  func.func @transform_7(%arg0: i32) -> (i32, i32) {
    %c0_i32 = arith.constant 0 : i32
    %c0_i32_0 = arith.constant 0 : i32
    %c0_i32_1 = arith.constant 0 : i32
    return %c0_i32, %c0_i32_0 : i32, i32
  }
  func.func @transform_8(%arg0: i32) -> (i32, i32) {
    %c0_i32 = arith.constant 0 : i32
    %c0_i32_0 = arith.constant 0 : i32
    return %arg0, %c0_i32 : i32, i32
  }
}

</mosaic_0001>

<sc_bundles>
// kernel: kernel.11.cloned.1.call-start
scs
__scs_entry_jumppad:
0x0: {  	(pc) =	sbr.rel $0x88, $3  }
0x1: {  	(tag) =	ssettag $0x0;
	lr =	simm.s32 $0x1  }
0x2: {  	[smem:$0x3F8D] =	sst lr;
	_ =	strace $0xD0000000  }
0x3: {  	_ = 	snop  }
0x4: {  	_ = 	snop  }
0x5: {  	_ = 	snop  }
0x6: {  	_ = 	snop  }
0x7: {  	_ = 	snop  }
__scs_overlays_trampoline_lowered:
0x8: {  	[smem:$0x3F9C] =	sst s0  }
0x9: {  	[smem:$0x3F9D] =	sst s1  }
0xa: {  	[smem:$0x3F9E] =	sst s2  }
0xb: {  	[smem:$0x3F9F] =	sst s3  }
0xc: {  	[smem:$0x3FA0] =	sst s4  }
0xd: {  	[smem:$0x3FA1] =	sst s5  }
0xe: {  	[smem:$0x3FA2] =	sst s6  }
0xf: {  	[smem:$0x3FA3] =	sst s7  }
0x10: {  	[smem:$0x3FA4] =	sst s8  }
0x11: {  	[smem:$0x3FA5] =	sst s9;
	s0 =	simm.s32 @!p0 $0x0  }
0x12: {  	s1 =	sld [smem:$0x3F8B];
	s0 =	simm.s32 @p0 $0x1  }
0x13: {  	[smem:$0x3FA6] =	sst s0;
	s0 =	simm.s32 @!p1 $0x0  }
0x14: {  	s2 =	sld [smem:$0x3F8A];
	s0 =	simm.s32 @p1 $0x1  }
0x15: {  	[smem:$0x3FA7] =	sst s0;
	s0 =	simm.s32 @!p2 $0x0  }
0x16: {  	s3 =	sld [smem:$0x3FDB];
	s0 =	simm.s32 @p2 $0x1  }
0x17: {  	s4 =	simm.s32 $0x1BF5;
	[smem:$0x3FA9] =	sst s0  }
0x18: {  	s0 =	sld [smem:$0x3F8C];
	_ =	swait.ge [sflag:s4], $0x0  }
0x19: {  	s7 =	sld [smem:$0x3F8D]  }
0x1a: {  	s8 =	sadd.s32 $0xFFFFE003, lr  }
0x1b: {  	s9 =	sadd.s32 $0xFFFFFEF7, lr;
	s5 =	simm.s32 $0xFFFFFFFF;
	p2 =	slt.u32 s8, $0xFFFFF086  }
0x1c: {  	p1 =	slt.u32 s9, $0xF7A;
	s5 =	simm.s32 @!p2 $0x0  }
0x1d: {  	s5 =	simm.s32 @p1 $0x1;
	p0 =	seq.s32 s7, s2  }
0x1e: {  	s7 =	smul.u32 @!p0 $0xF7A, s2;
	p2 =	seq.s32 @!p0 s5, $0x0  }
0x1f: {  	s9 =	smul.u32 $0xF7A, s1;
	s8 =	simm.s32 @!p0 $0x1BF5;
	p2 =	por !p2, p0  }
0x20: {  	[sflag:s8] =	ssyncset.s32 @!p0 $0xFFFFF086;
	s6 =	sadd.s32 @!p0 s3, s7;
	s7 =	simm.s32 @!p0 $0x108  }
0x21: {  	s3 =	sadd.s32 s3, s9;
	s6 =	sadd.s32 @!p0 $0x88, s6;
	s7 =	simm.s32 @p2 $0x1082  }
0x22: {  	[simem:s7], [sflag:s8] =	dma.local @!p0 [hbm:s6], $0xF7A  }
0x23: {  	s9 =	sor.u32 $0xD0000000, s2;
	s6 =	simm.s32 $0x108;
	_ =	swait.ge @!p0 [sflag:s8], $0x0  }
0x24: {  	s3 =	sadd.s32 $0x88, s3;
	s6 =	simm.s32 @!p1 $0x1082;
	[sflag:s4] =	ssyncset.s32 $0xFFFFF086  }
0x25: {  	[simem:s6], [sflag:s4] =	dma.local [hbm:s3], $0xF7A  }
0x26: {  	[smem:$0x3F8D] =	sst s1;
	(tag) =	ssettag s2;
	_ =	strace s9  }
0x27: {  	s1 =	sld [smem:$0x3F9D]  }
0x28: {  	s2 =	sld [smem:$0x3F9E]  }
0x29: {  	s4 =	sld [smem:$0x3FA0]  }
0x2a: {  	p0 =	seq.s32 s5, $0x0;
	s5 =	sld [smem:$0x3FA1]  }
0x2b: {  	s6 =	sld [smem:$0x3FA2]  }
0x2c: {  	s7 =	sld [smem:$0x3FA3]  }
0x2d: {  	s3 =	simm.s32 $0x108;
	s8 =	sld [smem:$0x3FA4]  }
0x2e: {  	s3 =	simm.s32 @!p0 $0x1082;
	s9 =	sld [smem:$0x3FA5]  }
0x2f: {  	lr =	sadd.s32 s0, s3;
	s0 =	sld [smem:$0x3F9C]  }
0x30: {  	s3 =	sld [smem:$0x3F9F]  }
0x31: {  	[smem:$0x3FA8] =	sst s10  }
0x32: {  	s10 =	sld [smem:$0x3FA6];
	_ =	sdelay $0x3  }
0x33: {  	p0 =	seq.s32 s10, $0x1;
	s10 =	sld [smem:$0x3FA8];
	_ =	sdelay $0x3  }
0x34: {  	[smem:$0x3FA8] =	sst s10  }
0x35: {  	s10 =	sld [smem:$0x3FA7];
	_ =	sdelay $0x3  }
0x36: {  	p1 =	seq.s32 s10, $0x1;
	s10 =	sld [smem:$0x3FA8];
	_ =	sdelay $0x3  }
0x37: {  	[smem:$0x3FA8] =	sst s10  }
0x38: {  	s10 =	sld [smem:$0x3FA9]  }
0x39: {  	_ = 	snop;
	(pc) =	sbr.ind lr, $3  }
0x3a: {  	_ = 	snop  }
0x3b: {  	_ = 	snop  }
0x3c: {  	p2 =	seq.s32 s10, $0x1;
	s10 =	sld [smem:$0x3FA8]  }
0x3d: {  	_ =	shalt  }
0x3e: {  	_ =	shalt  }
0x3f: {  	_ =	shalt  }
0x40: {  	_ =	shalt  }
0x41: {  	_ =	shalt  }
0x42: {  	_ =	shalt  }
0x43: {  	_ =	shalt  }
0x44: {  	_ =	shalt  }
0x45: {  	_ =	shalt  }
0x46: {  	_ =	shalt  }
0x47: {  	_ =	shalt  }
0x48: {  	_ =	shalt  }
0x49: {  	_ =	shalt  }
0x4a: {  	_ =	shalt  }
0x4b: {  	_ =	shalt  }
0x4c: {  	_ =	shalt  }
0x4d: {  	_ =	shalt  }
0x4e: {  	_ =	shalt  }
0x4f: {  	_ =	shalt  }
0x50: {  	_ =	shalt  }
0x51: {  	_ =	shalt  }
0x52: {  	_ =	shalt  }
0x53: {  	_ =	shalt  }
0x54: {  	_ =	shalt  }
0x55: {  	_ =	shalt  }
0x56: {  	_ =	shalt  }
0x57: {  	_ =	shalt  }
0x58: {  	_ =	shalt  }
0x59: {  	_ =	shalt  }
0x5a: {  	_ =	shalt  }
0x5b: {  	_ =	shalt  }
0x5c: {  	_ =	shalt  }
0x5d: {  	_ =	shalt  }
0x5e: {  	_ =	shalt  }
0x5f: {  	_ =	shalt  }
0x60: {  	_ =	shalt  }
0x61: {  	_ =	shalt  }
0x62: {  	_ =	shalt  }
0x63: {  	_ =	shalt  }
0x64: {  	_ =	shalt  }
0x65: {  	_ =	shalt  }
0x66: {  	_ =	shalt  }
0x67: {  	_ =	shalt  }
0x68: {  	_ =	shalt  }
0x69: {  	_ =	shalt  }
0x6a: {  	_ =	shalt  }
0x6b: {  	_ =	shalt  }
0x6c: {  	_ =	shalt  }
0x6d: {  	_ =	shalt  }
0x6e: {  	_ =	shalt  }
0x6f: {  	_ =	shalt  }
0x70: {  	_ =	shalt  }
0x71: {  	_ =	shalt  }
0x72: {  	_ =	shalt  }
0x73: {  	_ =	shalt  }
0x74: {  	_ =	shalt  }
0x75: {  	_ =	shalt  }
0x76: {  	_ =	shalt  }
0x77: {  	_ =	shalt  }
0x78: {  	_ =	shalt  }
0x79: {  	_ =	shalt  }
0x7a: {  	_ =	shalt  }
0x7b: {  	_ =	shalt  }
0x7c: {  	_ =	shalt  }
0x7d: {  	_ =	shalt  }
0x7e: {  	_ =	shalt  }
0x7f: {  	_ =	shalt  }
0x80: {  	_ =	shalt  }
0x81: {  	_ =	shalt  }
0x82: {  	_ =	shalt  }
0x83: {  	_ =	shalt  }
0x84: {  	_ =	shalt  }
0x85: {  	_ =	shalt  }
0x86: {  	_ =	shalt  }
0x87: {  	_ =	shalt  }
.Lfunc_end0:
.L_simem_size_0:
called_computation_lowered:
.L_overlay_start_0:
0x88: {  	s2 =	sld [smem:$0x3FD9]  }
0x89: {  	s3 =	sld [smem:$0x3FFE];
	_ =	sdelay $0x1  }
0x8a: {  	s1 =	srdreg.scid  }
0x8b: {  	s0 =	sand.u32 $0x1, s1  }
0x8c: {  	s17 =	sshll.u32 s0, $0xA;
	s2 =	sadd.s32 s3, s2  }
0x8d: {  	s2 =	sadd.s32 s2, s17  }
0x8e: {  	[smem:$0x3FB4] =	sst s2  }
0x8f: {  	_ = 	snop  }
0x90: {  	s2 =	sld [smem:$0x3FC9]  }
0x91: {  	s18 =	sld [smem:$0x3FD0];
	(tm) =	ssettm $0x1  }
0x92: {  	s4 =	sld [smem:$0x3FFB];
	_ =	sdelay $0x3  }
0x93: {  	_ =	strace s4  }
0x94: {  	s4 =	sld [smem:$0x3FFC];
	_ =	sdelay $0x3  }
0x95: {  	_ =	strace s4  }
0x96: {  	s4 =	sld [smem:$0x3FFD];
	_ =	sdelay $0x3  }
0x97: {  	_ =	strace s4  }
0x98: {  	_ =	strace $0x8FFFFFFF  }
0x99: {  	s19 =	sld [smem:$0x3FDB];
	_ =	sdelay $0x1  }
0x9a: {  	s5 =	simm.s32 $_scs_section_size  }
0x9b: {  	s6 =	simm.s32 $_size__tile_overlayer_lowered;
	s7 =	simm.s32 $_tile_overlayer_lowered  }
0x9c: {  	s22 =	simm.s32 $0x1BFF;
	s21 =	sshll.u32 s7, $0x1;
	s4 =	sadd.s32 s5, s19  }
0x9d: {  	s8 =	simm.s32 $0x0;
	s20 =	sshll.u32 s6, $0x1;
	s6 =	sadd.s32 s21, s4  }
0x9e: {  	[timem:s8], [sflag:s22] =	dma.local [hbm:s6], s20  }
0x9f: {  	_ =	swait.ge [sflag:s22], s20  }
0xa0: {  	s5 =	ssub.s32 $0x0, s20;
	[sflag:s22] =	ssyncset.done $0x0  }
0xa1: {  	[sflag:s22] =	ssyncadd.s32 s5;
	_ =	sdelay $0x1  }
0xa2: {  	s23 =	simm.s32 $0x1B8B  }
0xa3: {  	_ =	swait.ge [sflag:s23], $0x1  }
0xa4: {  	[sflag:s23] =	ssyncset.done $0x0  }
0xa5: {  	s25 =	simm.s32 $0x1B8E;
	s24 =	sld [smem:$0x3FFE];
	[sflag:s23] =	ssyncadd.s32 $0xFFFFFFFF  }
0xa6: {  	s26 =	simm.s32 $execute0_lowered;
	[smem:$0x3FD2] =	sst s25  }
0xa7: {  	s6 =	sshll.u32 s26, $0x1;
	_ =	strace $0x80000046;
	[dreg:$0x1] =	wrdreg $0xFFFFFFFF  }
0xa8: {  	s28 =	simm.s32 $_size_execute0_lowered;
	s4 =	sadd.s32 s4, s6;
	[dreg:$0x0] =	wrdreg $0x0  }
0xa9: {  	s6 =	sshll.u32 s28, $0x1;
	[dreg:$0x2] =	wrdreg s4  }
0xaa: {  	[dreg:$0x3] =	wrdreg s6  }
0xab: {  	[dreg:$0x4] =	wrdreg $0xC0  }
0xac: {  	_ =	task [dreg:s8], $0x5FFFF  }
0xad: {  	[dreg:$0x1] =	wrdreg $0xFFFFFFFF  }
0xae: {  	[dreg:$0x0] =	wrdreg $0x60  }
0xaf: {  	[dreg:$0x2] =	wrdreg s2  }
0xb0: {  	[dreg:$0x3] =	wrdreg s24  }
0xb1: {  	[dreg:$0x4] =	wrdreg s18  }
0xb2: {  	[dreg:$0x5] =	wrdreg $0xB1000  }
0xb3: {  	[dreg:$0x6] =	wrdreg $0x9  }
0xb4: {  	_ =	task.clear_ibuf [dreg:s8], $0x7FFFF;
	_ =	strace $0x90000046  }
0xb5: {  	s29 =	simm.s32 $0x9;
	_ =	strace $0x80000048  }
0xb6: {  	_ =	swait.ge [sflag:s29], $0x1  }
0xb7: {  	[sflag:s29] =	ssyncadd.s32 $0xFFFFFFFF  }
0xb8: {  	_ =	strace $0x90000048  }
0xb9: {  	_ =	sfence  }
0xba: {  	s30 =	sld [smem:$0x0];
	_ =	sdelay $0x2  }
0xbb: {  	s31 =	sshll.u32 s1, $0xD;
	s1 =	sshrl.u32 s1, $0x2  }
0xbc: {  	s3 =	sand.u32 $0x4000, s31;
	s1 =	sadd.s32 s1, s30  }
0xbd: {  	s0 =	sor.u32 s3, s0;
	s1 =	sshll.u32 s1, $0x11  }
0xbe: {  	s0 =	sor.u32 s1, s0  }
0xbf: {  	s0 =	sadd.s32 $0x8F2B, s0  }
0xc0: {  	[sflag:s0] =	ssyncadd.remote.s32 $0x1  }
0xc1: {  	_ =	sfence.sel $0xFFFF  }
0xc2: {  	[dreg:$0x0] =	wrdreg $0xFFFFFFFF;
	(pc) =	sbr.abs _section_cstart, $3  }
0xc3: {  	[dreg:$0x1] =	wrdreg $0xFFFFFFFF  }
0xc4: {  	_ =	task.clear_ibuf [dreg:s8], $0x2FFFF;
	_ =	strace $0x9FFFFFFF  }
0xc5: {  	(tm) =	ssettm $0x7FFFFFFF  }
tec
execute0_lowered:
.L_overlay_start_1:
0x0: {  	(tag) =	ssettag $0x1  }
0x1: {  	s1 =	rddreg [dreg:$0x0]  }
0x2: {  	s0 =	rddreg [dreg:$0x1]  }
0x3: {  	s3 =	rddreg [dreg:$0x3];
	s4 =	simm.s32 $0x0  }
0x4: {  	s5 =	srdreg.scid;
	s14 =	stileid.u32;
	s28 =	simm.s32 $0x3  }
0x5: {  	s29 =	simm.s32 $0x1;
	s30 =	simm.s32 $0x5;
	s31 =	simm.s32 $0x6  }
0x6: {  	[smem:$0x7FF] =	sst s4;
	s2 =	sadd.s32 $0x5200, s0;
	s6 =	sadd.s32 $0xF000, s0  }
0x7: {  	s5 =	sand.u32 $0x1, s5;
	s8 =	sshll.u32 s14, $0x1;
	s9 =	smul.u32 $0x4E000, s14  }
0x8: {  	s0 =	sadd.s32 $0x18E00, s0;
	s11 =	sshll.u32 s14, $0x6;
	s15 =	sadd.s32 $0x138000, s3  }
0x9: {  	s19 =	smul.u32 $0x4E20, s14;
	p0 =	sne.s32 s14, $0xF;
	_ =	strace $0x80000047  }
0xa: {  	s7 =	ssub.s32 $0x2, s5;
	s8 =	sor.u32 s5, s8;
	s16 =	smul.u32 $0x138800, s5  }
0xb: {  	[dreg:$0x6] =	wrdreg s15;
	s5 =	smul.u32 $0x2710, s5;
	s10 =	sshrl.u32 s7, $0x1  }
0xc: {  	s9 =	sshrl.u32 s9, $0x2;
	s8 =	smul.u32 $0x2710, s8;
	s12 =	ssub.s32 s7, s10  }
0xd: {  	s13 =	sadd.s32 s9, s3;
	s7 =	sor.u32 $0x1C07, s11;
	s9 =	sshrl.u32 s16, $0x3  }
0xe: {  	s22 =	sadd.s32 s5, s19;
	s5 =	simm.s32 $0x2;
	[dreg:$0x5] =	wrdreg s13  }
0xf: {  	s8 =	sshrl.u32 s8, $0x3;
	s13 =	smul.u32 $0x13800, s14;
	s9 =	sadd.s32 s0, s9  }
0x10: {  	s23 =	smax.u32 s12, $0x1;
	s25 =	sadd.s32 $0x180, s22;
	s17 =	sadd.s32 s2, s8  }
0x11: {  	s18 =	sadd.s32 $0x4E0, s8;
	s10 =	sadd.s32 s6, s8;
	[dreg:$0xc] =	wrdreg s23  }
0x12: {  	s21 =	sadd.s32 $0x27000, s9;
	s23 =	simm.s32 $0x80;
	[dreg:$0x7] =	wrdreg s17  }
0x13: {  	s9 =	simm.s32 $0xA900;
	s2 =	sadd.s32 s2, s18;
	[dreg:$0xb] =	wrdreg s21  }
0x14: {  	s20 =	sadd.s32 s13, s16;
	s11 =	sadd.s32 s6, s18;
	[dreg:$0x8] =	wrdreg s2  }
0x15: {  	s24 =	sadd.s32 $0x10, s10;
	s26 =	sadd.s32 $0x20, s10;
	[dreg:$0x9] =	wrdreg s11  }
0x16: {  	s18 =	sadd.s32 $0x4D0, s10;
	s21 =	simm.s32 $0x7;
	[dreg:$0xd] =	wrdreg s24  }
0x17: {  	s8 =	sshrl.u32 s20, $0x3;
	[dreg:$0xe] =	wrdreg s26;
	s2 =	sshrl.u32 s25, $0x3  }
0x18: {  	s24 =	simm.s32 $0x2800;
	s25 =	simm.s32 $0x2780;
	s26 =	simm.s32 $0x6800  }
0x19: {  	s11 =	simm.s32 $0x0;
	s0 =	sadd.s32 s0, s8;
	s19 =	sadd.s32 s2, s6  }
0x1a: {  	s2 =	simm.s32 $0xA800;
	[dreg:$0xa] =	wrdreg s0;
	s0 =	sadd.s32 $0x200, s22  }
0x1b: {  	s8 =	simm.s32 $0x10;
	s22 =	simm.s32 $0x2700;
	s0 =	sshrl.u32 s0, $0x3  }
0x1c: {  	s20 =	sadd.s32 s0, s6;
	s0 =	simm.s32 $0x4;
	s6 =	simm.s32 $0xA880  }
.LBB2_1:
0x1d: {  	s12 =	rddreg [dreg:$0x5]  }
0x1e: {  	s14 =	rddreg [dreg:$0x2];
	s12 =	sshrl.u32 s12, $0x3  }
0x1f: {  	[spmem:s12], [sflag:s7] =	dma.local [hbm:s14], $0x2700  }
0x20: {  	_ =	swait.ge [sflag:s21], $0x2700  }
0x21: {  	[sflag:s21] =	ssyncset.done $0x0;
	s13 =	rddreg [dreg:$0x6]  }
0x22: {  	[sflag:s21] =	ssyncadd.s32 $0xFFFFD900;
	s13 =	sshrl.u32 @!p0 s13, $0x3  }
0x23: {  	[spmem:s13], [sflag:s7] =	dma.local @!p0 [hbm:s14], $0x100  }
0x24: {  	s14 =	simm.s32 @!p0 $0x7  }
0x25: {  	_ =	swait.ge @!p0 [sflag:s14], $0x100  }
0x26: {  	[sflag:s14] =	ssyncset.done @!p0 $0x0  }
0x27: {  	s16 =	rddreg [dreg:$0x7];
	[sflag:s14] =	ssyncadd.s32 @!p0 $0xFFFFFF00  }
0x28: {  	[tilespmem:s4], [sflag:$0x7] =	stream.linear.gather [hbm4b:s16+s4], $0x2700, $0x38;
	[tilespmem:$0x1E980] =	vst v63  }
0x29: {  	_ =	swait.ge [sflag:s21], $0x2700  }
0x2a: {  	[sflag:s21] =	ssyncset.done $0x0  }
0x2b: {  	[sflag:s21] =	ssyncadd.s32 $0xFFFFD900  }
0x2c: {  	[bflag:$0x0] =	sbarrier.arrive $0xFFFF  }
0x2d: {  	[tilespmem:s22], [sflag:$0x1] =	stream.linear.gather [hbm4b:s10+s4], $0x80, $0x38;
	[tilespmem:$0x1E980] =	vst v63  }
0x2e: {  	_ = 	snop  }
0x2f: {  	[tilespmem:s24], [sflag:$0x3] =	stream.indirect.gather [hbm4b:s1+s23], $0x80, s4, s23, $0xb8;
	[tilespmem:$0x1E980] =	vst v63  }
0x30: {  	s17 =	rddreg [dreg:$0xd]  }
0x31: {  	[tilespmem:s25], [sflag:$0x2] =	stream.linear.gather [hbm4b:s17+s4], $0x80, $0x38;
	[tilespmem:$0x1E980] =	vst v63  }
0x32: {  	_ = 	snop  }
0x33: {  	[tilespmem:s26], [sflag:$0x4] =	stream.indirect.gather [hbm4b:s1+s23], $0x80, s23, s23, $0xb8;
	[tilespmem:$0x1E980] =	vst v63  }
0x34: {  	_ =	swait.ge [sflag:s28], $0x4000  }
0x35: {  	[sflag:s28] =	ssyncset.done $0x0  }
0x36: {  	[sflag:s28] =	ssyncadd.s32 $0xFFFFC000  }
0x37: {  	_ =	swait.ge [sflag:s29], $0x80  }
0x38: {  	[sflag:s29] =	ssyncset.done $0x0  }
0x39: {  	[sflag:s29] =	ssyncadd.s32 $0xFFFFFF80  }
0x3a: {  	[spmem:s3] =	stream.indirect.scatter.add.f32 [tilespmem:s24], [sflag:$0x5], $0x80, s22, s23, $0xb8;
	[tilespmem:$0x1E980] =	vst v63  }
0x3b: {  	_ =	swait.ge [sflag:s30], $0x4000  }
0x3c: {  	[sflag:s30] =	ssyncset.done $0x0  }
0x3d: {  	s15 =	rddreg [dreg:$0xe];
	[sflag:s30] =	ssyncadd.s32 $0xFFFFC000  }
0x3e: {  	[tilespmem:s22], [sflag:$0x1] =	stream.linear.gather [hbm4b:s15+s4], $0x80, $0x38;
	[tilespmem:$0x1E980] =	vst v63  }
0x3f: {  	s16 =	simm.s32 $0x100  }
0x40: {  	[tilespmem:s24], [sflag:$0x3] =	stream.indirect.gather [hbm4b:s1+s23], $0x80, s16, s23, $0xb8;
	[tilespmem:$0x1E980] =	vst v63  }
0x41: {  	_ =	swait.ge [sflag:s0], $0x4000  }
0x42: {  	[sflag:s0] =	ssyncset.done $0x0  }
0x43: {  	[sflag:s0] =	ssyncadd.s32 $0xFFFFC000  }
0x44: {  	_ =	swait.ge [sflag:s5], $0x80  }
0x45: {  	[sflag:s5] =	ssyncset.done $0x0  }
0x46: {  	[sflag:s5] =	ssyncadd.s32 $0xFFFFFF80  }
0x47: {  	[spmem:s3] =	stream.indirect.scatter.add.f32 [tilespmem:s26], [sflag:$0x6], $0x80, s25, s23, $0xb8;
	[tilespmem:$0x1E980] =	vst v63  }
0x48: {  	_ =	swait.ge [sflag:s31], $0x4000  }
0x49: {  	[sflag:s31] =	ssyncset.done $0x0  }
0x4a: {  	s17 =	sadd.s32 $0x0, s19;
	[sflag:s31] =	ssyncadd.s32 $0xFFFFC000  }
0x4b: {  	[tilespmem:s25], [sflag:$0x2] =	stream.linear.gather [hbm4b:s17+s4], $0x80, $0x38;
	[tilespmem:$0x1E980] =	vst v63  }
0x4c: {  	s15 =	simm.s32 $0x180  }
0x4d: {  	[tilespmem:s26], [sflag:$0x4] =	stream.indirect.gather [hbm4b:s1+s23], $0x80, s15, s23, $0xb8;
	[tilespmem:$0x1E980] =	vst v63  }
0x4e: {  	_ =	swait.ge [sflag:s28], $0x4000  }
0x4f: {  	[sflag:s28] =	ssyncset.done $0x0  }
0x50: {  	[sflag:s28] =	ssyncadd.s32 $0xFFFFC000  }
0x51: {  	_ =	swait.ge [sflag:s29], $0x80  }
0x52: {  	[sflag:s29] =	ssyncset.done $0x0  }
0x53: {  	[sflag:s29] =	ssyncadd.s32 $0xFFFFFF80  }
0x54: {  	[spmem:s3] =	stream.indirect.scatter.add.f32 [tilespmem:s24], [sflag:$0x5], $0x80, s22, s23, $0xb8;
	[tilespmem:$0x1E980] =	vst v63  }
0x55: {  	_ =	swait.ge [sflag:s30], $0x4000  }
0x56: {  	[sflag:s30] =	ssyncset.done $0x0  }
0x57: {  	s16 =	sadd.s32 $0x0, s20;
	[sflag:s30] =	ssyncadd.s32 $0xFFFFC000  }
0x58: {  	[tilespmem:s22], [sflag:$0x1] =	stream.linear.gather [hbm4b:s16+s4], $0x80, $0x38;
	[tilespmem:$0x1E980] =	vst v63  }
0x59: {  	s17 =	simm.s32 $0x200  }
0x5a: {  	[tilespmem:s24], [sflag:$0x3] =	stream.indirect.gather [hbm4b:s1+s23], $0x80, s17, s23, $0xb8;
	[tilespmem:$0x1E980] =	vst v63  }
0x5b: {  	_ =	swait.ge [sflag:s0], $0x4000  }
0x5c: {  	[sflag:s0] =	ssyncset.done $0x0  }
0x5d: {  	[sflag:s0] =	ssyncadd.s32 $0xFFFFC000  }
0x5e: {  	_ =	swait.ge [sflag:s5], $0x80  }
0x5f: {  	[sflag:s5] =	ssyncset.done $0x0  }
0x60: {  	s14 =	simm.s32 $0x20;
	s15 =	simm.s32 $0x280;
	[sflag:s5] =	ssyncadd.s32 $0xFFFFFF80  }
.LBB2_2:
0x61: {  	[spmem:s3] =	stream.indirect.scatter.add.f32 [tilespmem:s26], [sflag:$0x6], $0x80, s25, s23, $0xb8;
	[tilespmem:$0x1E980] =	vst v63  }
0x62: {  	s16 =	smov.u32 s14  }
0x63: {  	p1 =	sne.s32 s14, $0x480;
	s14 =	sadd.s32 $0x20, s14;
	_ =	swait.ge [sflag:s31], $0x4000  }
0x64: {  	[sflag:s31] =	ssyncset.done $0x0  }
0x65: {  	s17 =	sadd.s32 s16, s19;
	[sflag:s31] =	ssyncadd.s32 $0xFFFFC000  }
0x66: {  	[tilespmem:s25], [sflag:$0x2] =	stream.linear.gather [hbm4b:s17+s4], $0x80, $0x38;
	[tilespmem:$0x1E980] =	vst v63  }
0x67: {  	_ = 	snop  }
0x68: {  	[tilespmem:s26], [sflag:$0x4] =	stream.indirect.gather [hbm4b:s1+s23], $0x80, s15, s23, $0xb8;
	[tilespmem:$0x1E980] =	vst v63  }
0x69: {  	_ =	swait.ge [sflag:s28], $0x4000  }
0x6a: {  	[sflag:s28] =	ssyncset.done $0x0  }
0x6b: {  	[sflag:s28] =	ssyncadd.s32 $0xFFFFC000  }
0x6c: {  	_ =	swait.ge [sflag:s29], $0x80  }
0x6d: {  	[sflag:s29] =	ssyncset.done $0x0  }
0x6e: {  	[sflag:s29] =	ssyncadd.s32 $0xFFFFFF80  }
0x6f: {  	[spmem:s3] =	stream.indirect.scatter.add.f32 [tilespmem:s24], [sflag:$0x5], $0x80, s22, s23, $0xb8;
	[tilespmem:$0x1E980] =	vst v63  }
0x70: {  	_ =	swait.ge [sflag:s30], $0x4000  }
0x71: {  	[sflag:s30] =	ssyncset.done $0x0  }
0x72: {  	s16 =	sadd.s32 s16, s20;
	[sflag:s30] =	ssyncadd.s32 $0xFFFFC000  }
0x73: {  	[tilespmem:s22], [sflag:$0x1] =	stream.linear.gather [hbm4b:s16+s4], $0x80, $0x38;
	[tilespmem:$0x1E980] =	vst v63  }
0x74: {  	s16 =	sadd.s32 $0x80, s15  }
0x75: {  	[tilespmem:s24], [sflag:$0x3] =	stream.indirect.gather [hbm4b:s1+s23], $0x80, s16, s23, $0xb8;
	[tilespmem:$0x1E980] =	vst v63  }
0x76: {  	_ =	swait.ge [sflag:s0], $0x4000  }
.Ltmp0:
0x77: {  	[sflag:s0] =	ssyncset.done $0x0;
	(pc) =	sbr.rel @p1 .LBB2_2-.Ltmp0, $4  }
0x78: {  	[sflag:s0] =	ssyncadd.s32 $0xFFFFC000  }
0x79: {  	_ =	swait.ge [sflag:s5], $0x80  }
0x7a: {  	[sflag:s5] =	ssyncset.done $0x0  }
0x7b: {  	s15 =	sadd.s32 $0x100, s15;
	[sflag:s5] =	ssyncadd.s32 $0xFFFFFF80  }
0x7c: {  	[spmem:s3] =	stream.indirect.scatter.add.f32 [tilespmem:s26], [sflag:$0x6], $0x80, s25, s23, $0xb8;
	[tilespmem:$0x1E980] =	vst v63  }
0x7d: {  	_ =	swait.ge [sflag:s31], $0x4000  }
0x7e: {  	[sflag:s31] =	ssyncset.done $0x0  }
0x7f: {  	[sflag:s31] =	ssyncadd.s32 $0xFFFFC000  }
0x80: {  	[tilespmem:s25], [sflag:$0x2] =	stream.linear.gather [hbm4b:s18+s4], $0x80, $0x38;
	[tilespmem:$0x1E980] =	vst v63  }
0x81: {  	s14 =	simm.s32 $0x2680  }
0x82: {  	[tilespmem:s26], [sflag:$0x4] =	stream.indirect.gather [hbm4b:s1+s23], $0x80, s14, s23, $0xb8;
	[tilespmem:$0x1E980] =	vst v63  }
0x83: {  	_ =	swait.ge [sflag:s28], $0x4000  }
0x84: {  	[sflag:s28] =	ssyncset.done $0x0  }
0x85: {  	[sflag:s28] =	ssyncadd.s32 $0xFFFFC000  }
0x86: {  	_ =	swait.ge [sflag:s29], $0x80  }
0x87: {  	[sflag:s29] =	ssyncset.done $0x0  }
0x88: {  	[sflag:s29] =	ssyncadd.s32 $0xFFFFFF80  }
0x89: {  	[spmem:s3] =	stream.indirect.scatter.add.f32 [tilespmem:s24], [sflag:$0x5], $0x80, s22, s23, $0xb8;
	[tilespmem:$0x1E980] =	vst v63  }
0x8a: {  	_ =	swait.ge [sflag:s0], $0x4000  }
0x8b: {  	[sflag:s0] =	ssyncset.done $0x0  }
0x8c: {  	[sflag:s0] =	ssyncadd.s32 $0xFFFFC000  }
0x8d: {  	_ =	swait.ge [sflag:s5], $0x80  }
0x8e: {  	[sflag:s5] =	ssyncset.done $0x0  }
0x8f: {  	[sflag:s5] =	ssyncadd.s32 $0xFFFFFF80  }
0x90: {  	[spmem:s3] =	stream.indirect.scatter.add.f32 [tilespmem:s26], [sflag:$0x6], $0x80, s25, s23, $0xb8;
	[tilespmem:$0x1E980] =	vst v63  }
0x91: {  	_ =	swait.ge [sflag:s30], $0x4000  }
0x92: {  	[sflag:s30] =	ssyncset.done $0x0  }
0x93: {  	[sflag:s30] =	ssyncadd.s32 $0xFFFFC000  }
0x94: {  	_ =	swait.ge [sflag:s31], $0x4000  }
0x95: {  	[sflag:s31] =	ssyncset.done $0x0  }
0x96: {  	s17 =	rddreg [dreg:$0x8];
	[sflag:s31] =	ssyncadd.s32 $0xFFFFC000  }
0x97: {  	[tilespmem:s2], [sflag:$0x7] =	stream.linear.gather [hbm4b:s17+s4], $0x10, $0x38;
	[tilespmem:$0x1E980] =	vst v63  }
0x98: {  	_ =	swait.ge [sflag:s21], $0x10  }
0x99: {  	[sflag:s21] =	ssyncset.done $0x0  }
0x9a: {  	s15 =	rddreg [dreg:$0x9];
	[sflag:s21] =	ssyncadd.s32 $0xFFFFFFF0  }
0x9b: {  	[tilespmem:s6], [sflag:$0x7] =	stream.linear.gather [hbm4b:s15+s4], $0x10, $0x38;
	[tilespmem:$0x1E980] =	vst v63  }
0x9c: {  	_ =	swait.ge [sflag:s21], $0x10  }
0x9d: {  	[sflag:s21] =	ssyncset.done $0x0  }
0x9e: {  	[sflag:s21] =	ssyncadd.s32 $0xFFFFFFF0  }
0x9f: {  	[tilespmem:s9], [sflag:$0x3] =	stream.indirect.gather [hbm4b:s1+s8], $0x80, s2, s8, $0xb8;
	[tilespmem:$0x1E980] =	vst v63  }
0xa0: {  	_ =	swait.ge [sflag:s28], $0x800  }
0xa1: {  	[sflag:s28] =	ssyncset.done $0x0  }
0xa2: {  	[sflag:s28] =	ssyncadd.s32 $0xFFFFF800  }
0xa3: {  	[spmem:s3] =	stream.indirect.scatter.add.f32 [tilespmem:s9], [sflag:$0x7], $0x80, s6, s8, $0xb8;
	[tilespmem:$0x1E980] =	vst v63  }
0xa4: {  	_ =	swait.ge [sflag:s21], $0x800  }
0xa5: {  	[sflag:s21] =	ssyncset.done $0x0  }
0xa6: {  	[sflag:s21] =	ssyncadd.s32 $0xFFFFF800  }
0xa7: {  	[bflag:$0x0] =	sbarrier.arrive $0xFFFF  }
0xa8: {  	s16 =	rddreg [dreg:$0xa]  }
0xa9: {  	[hbm:s16], [sflag:s7] =	dma.local [spmem:s12], $0x2700  }
0xaa: {  	_ =	swait.ge [sflag:s21], $0x2700  }
0xab: {  	[sflag:s21] =	ssyncset.done $0x0  }
0xac: {  	s12 =	rddreg [dreg:$0xb];
	[sflag:s21] =	ssyncadd.s32 $0xFFFFD900  }
0xad: {  	[hbm:s12], [sflag:s7] =	dma.local @!p0 [spmem:s13], $0x100  }
0xae: {  	s12 =	simm.s32 @!p0 $0x7  }
0xaf: {  	_ =	swait.ge @!p0 [sflag:s12], $0x100  }
0xb0: {  	s11 =	sadd.s32 $0x1, s11;
	s17 =	rddreg [dreg:$0xc]  }
0xb1: {  	p1 =	sne.s32 s11, s17  }
.Ltmp1:
0xb2: {  	_ = 	snop;
	(pc) =	sbr.rel @p1 .LBB2_1-.Ltmp1, $3  }
0xb3: {  	_ =	sdelay $0x1  }
0xb4: {  	[sflag:s12] =	ssyncset.done @!p0 $0x0  }
0xb5: {  	[sflag:s12] =	ssyncadd.s32 @!p0 $0xFFFFFF00  }
0xb6: {  	_ =	sfence.sel $0x180000  }
0xb7: {  	[bflag:$0x0] =	sbarrier.arrive $0xFFFF  }
0xb8: {  	_ =	strace $0x90000047  }
0xb9: {  	s0 =	stileid.u32;
	[bflag:$0x2] =	sbarrier.arrive $0xFFFF  }
0xba: {  	p0 =	sne.s32 s0, $0x0;
	s0 =	rddreg [dreg:$0x4]  }
0xbb: {  	s0 =	sadd.s32 @!p0 $0x100000, s0  }
0xbc: {  	[sflag:s0] =	ssyncadd.tile.s32 @!p0 $0x1;
	_ =	shalt  }
.Lfunc_end2:
_tile_overlayer_lowered:
.L_overlay_start_2:
0xbd: {  	(tag) =	ssettag $0x2  }
0xbe: {  	s0 =	rddreg [dreg:$0x0];
	s2 =	stileid.u32  }
0xbf: {  	s1 =	rddreg [dreg:$0x1];
	p0 =	sne.s32 s2, $0x0  }
0xc0: {  	s3 =	rddreg [dreg:$0x2];
	[bflag:$0x3] =	sbarrier.arrive $0xFFFF;
	s2 =	simm.s32 @!p0 $0x1C07  }
0xc1: {  	[timem:s3], [sflag:s2] =	dma.local @!p0 [hbm:s0], s1  }
0xc2: {  	s0 =	simm.s32 @!p0 $0x7  }
0xc3: {  	_ =	swait.ge @!p0 [sflag:s0], s1  }
0xc4: {  	s1 =	ssub.s32 @!p0 $0x0, s1;
	[sflag:s0] =	ssyncset.done @!p0 $0x0  }
0xc5: {  	[sflag:s0] =	ssyncadd.s32 @!p0 s1  }
0xc6: {  	[bflag:$0x3] =	sbarrier.arrive $0xFFFF  }
0xc7: {  	_ =	shalt  }

// kernel: kernel.14.cloned.1.call-start
scs
__scs_entry_jumppad:
0x0: {  	(pc) =	sbr.rel $0x88, $3  }
0x1: {  	(tag) =	ssettag $0x0;
	lr =	simm.s32 $0x1  }
0x2: {  	[smem:$0x3F8D] =	sst lr;
	_ =	strace $0xD0000000  }
0x3: {  	_ = 	snop  }
0x4: {  	_ = 	snop  }
0x5: {  	_ = 	snop  }
0x6: {  	_ = 	snop  }
0x7: {  	_ = 	snop  }
__scs_overlays_trampoline_lowered:
0x8: {  	[smem:$0x3F9C] =	sst s0  }
0x9: {  	[smem:$0x3F9D] =	sst s1  }
0xa: {  	[smem:$0x3F9E] =	sst s2  }
0xb: {  	[smem:$0x3F9F] =	sst s3  }
0xc: {  	[smem:$0x3FA0] =	sst s4  }
0xd: {  	[smem:$0x3FA1] =	sst s5  }
0xe: {  	[smem:$0x3FA2] =	sst s6  }
0xf: {  	[smem:$0x3FA3] =	sst s7  }
0x10: {  	[smem:$0x3FA4] =	sst s8  }
0x11: {  	[smem:$0x3FA5] =	sst s9;
	s0 =	simm.s32 @!p0 $0x0  }
0x12: {  	s1 =	sld [smem:$0x3F8B];
	s0 =	simm.s32 @p0 $0x1  }
0x13: {  	[smem:$0x3FA6] =	sst s0;
	s0 =	simm.s32 @!p1 $0x0  }
0x14: {  	s2 =	sld [smem:$0x3F8A];
	s0 =	simm.s32 @p1 $0x1  }
0x15: {  	[smem:$0x3FA7] =	sst s0;
	s0 =	simm.s32 @!p2 $0x0  }
0x16: {  	s3 =	sld [smem:$0x3FDB];
	s0 =	simm.s32 @p2 $0x1  }
0x17: {  	s4 =	simm.s32 $0x1BF5;
	[smem:$0x3FA9] =	sst s0  }
0x18: {  	s0 =	sld [smem:$0x3F8C];
	_ =	swait.ge [sflag:s4], $0x0  }
0x19: {  	s7 =	sld [smem:$0x3F8D]  }
0x1a: {  	s8 =	sadd.s32 $0xFFFFE003, lr  }
0x1b: {  	s9 =	sadd.s32 $0xFFFFFEF7, lr;
	s5 =	simm.s32 $0xFFFFFFFF;
	p2 =	slt.u32 s8, $0xFFFFF086  }
0x1c: {  	p1 =	slt.u32 s9, $0xF7A;
	s5 =	simm.s32 @!p2 $0x0  }
0x1d: {  	s5 =	simm.s32 @p1 $0x1;
	p0 =	seq.s32 s7, s2  }
0x1e: {  	s7 =	smul.u32 @!p0 $0xF7A, s2;
	p2 =	seq.s32 @!p0 s5, $0x0  }
0x1f: {  	s9 =	smul.u32 $0xF7A, s1;
	s8 =	simm.s32 @!p0 $0x1BF5;
	p2 =	por !p2, p0  }
0x20: {  	[sflag:s8] =	ssyncset.s32 @!p0 $0xFFFFF086;
	s6 =	sadd.s32 @!p0 s3, s7;
	s7 =	simm.s32 @!p0 $0x108  }
0x21: {  	s3 =	sadd.s32 s3, s9;
	s6 =	sadd.s32 @!p0 $0x88, s6;
	s7 =	simm.s32 @p2 $0x1082  }
0x22: {  	[simem:s7], [sflag:s8] =	dma.local @!p0 [hbm:s6], $0xF7A  }
0x23: {  	s9 =	sor.u32 $0xD0000000, s2;
	s6 =	simm.s32 $0x108;
	_ =	swait.ge @!p0 [sflag:s8], $0x0  }
0x24: {  	s3 =	sadd.s32 $0x88, s3;
	s6 =	simm.s32 @!p1 $0x1082;
	[sflag:s4] =	ssyncset.s32 $0xFFFFF086  }
0x25: {  	[simem:s6], [sflag:s4] =	dma.local [hbm:s3], $0xF7A  }
0x26: {  	[smem:$0x3F8D] =	sst s1;
	(tag) =	ssettag s2;
	_ =	strace s9  }
0x27: {  	s1 =	sld [smem:$0x3F9D]  }
0x28: {  	s2 =	sld [smem:$0x3F9E]  }
0x29: {  	s4 =	sld [smem:$0x3FA0]  }
0x2a: {  	p0 =	seq.s32 s5, $0x0;
	s5 =	sld [smem:$0x3FA1]  }
0x2b: {  	s6 =	sld [smem:$0x3FA2]  }
0x2c: {  	s7 =	sld [smem:$0x3FA3]  }
0x2d: {  	s3 =	simm.s32 $0x108;
	s8 =	sld [smem:$0x3FA4]  }
0x2e: {  	s3 =	simm.s32 @!p0 $0x1082;
	s9 =	sld [smem:$0x3FA5]  }
0x2f: {  	lr =	sadd.s32 s0, s3;
	s0 =	sld [smem:$0x3F9C]  }
0x30: {  	s3 =	sld [smem:$0x3F9F]  }
0x31: {  	[smem:$0x3FA8] =	sst s10  }
0x32: {  	s10 =	sld [smem:$0x3FA6];
	_ =	sdelay $0x3  }
0x33: {  	p0 =	seq.s32 s10, $0x1;
	s10 =	sld [smem:$0x3FA8];
	_ =	sdelay $0x3  }
0x34: {  	[smem:$0x3FA8] =	sst s10  }
0x35: {  	s10 =	sld [smem:$0x3FA7];
	_ =	sdelay $0x3  }
0x36: {  	p1 =	seq.s32 s10, $0x1;
	s10 =	sld [smem:$0x3FA8];
	_ =	sdelay $0x3  }
0x37: {  	[smem:$0x3FA8] =	sst s10  }
0x38: {  	s10 =	sld [smem:$0x3FA9]  }
0x39: {  	_ = 	snop;
	(pc) =	sbr.ind lr, $3  }
0x3a: {  	_ = 	snop  }
0x3b: {  	_ = 	snop  }
0x3c: {  	p2 =	seq.s32 s10, $0x1;
	s10 =	sld [smem:$0x3FA8]  }
0x3d: {  	_ =	shalt  }
0x3e: {  	_ =	shalt  }
0x3f: {  	_ =	shalt  }
0x40: {  	_ =	shalt  }
0x41: {  	_ =	shalt  }
0x42: {  	_ =	shalt  }
0x43: {  	_ =	shalt  }
0x44: {  	_ =	shalt  }
0x45: {  	_ =	shalt  }
0x46: {  	_ =	shalt  }
0x47: {  	_ =	shalt  }
0x48: {  	_ =	shalt  }
0x49: {  	_ =	shalt  }
0x4a: {  	_ =	shalt  }
0x4b: {  	_ =	shalt  }
0x4c: {  	_ =	shalt  }
0x4d: {  	_ =	shalt  }
0x4e: {  	_ =	shalt  }
0x4f: {  	_ =	shalt  }
0x50: {  	_ =	shalt  }
0x51: {  	_ =	shalt  }
0x52: {  	_ =	shalt  }
0x53: {  	_ =	shalt  }
0x54: {  	_ =	shalt  }
0x55: {  	_ =	shalt  }
0x56: {  	_ =	shalt  }
0x57: {  	_ =	shalt  }
0x58: {  	_ =	shalt  }
0x59: {  	_ =	shalt  }
0x5a: {  	_ =	shalt  }
0x5b: {  	_ =	shalt  }
0x5c: {  	_ =	shalt  }
0x5d: {  	_ =	shalt  }
0x5e: {  	_ =	shalt  }
0x5f: {  	_ =	shalt  }
0x60: {  	_ =	shalt  }
0x61: {  	_ =	shalt  }
0x62: {  	_ =	shalt  }
0x63: {  	_ =	shalt  }
0x64: {  	_ =	shalt  }
0x65: {  	_ =	shalt  }
0x66: {  	_ =	shalt  }
0x67: {  	_ =	shalt  }
0x68: {  	_ =	shalt  }
0x69: {  	_ =	shalt  }
0x6a: {  	_ =	shalt  }
0x6b: {  	_ =	shalt  }
0x6c: {  	_ =	shalt  }
0x6d: {  	_ =	shalt  }
0x6e: {  	_ =	shalt  }
0x6f: {  	_ =	shalt  }
0x70: {  	_ =	shalt  }
0x71: {  	_ =	shalt  }
0x72: {  	_ =	shalt  }
0x73: {  	_ =	shalt  }
0x74: {  	_ =	shalt  }
0x75: {  	_ =	shalt  }
0x76: {  	_ =	shalt  }
0x77: {  	_ =	shalt  }
0x78: {  	_ =	shalt  }
0x79: {  	_ =	shalt  }
0x7a: {  	_ =	shalt  }
0x7b: {  	_ =	shalt  }
0x7c: {  	_ =	shalt  }
0x7d: {  	_ =	shalt  }
0x7e: {  	_ =	shalt  }
0x7f: {  	_ =	shalt  }
0x80: {  	_ =	shalt  }
0x81: {  	_ =	shalt  }
0x82: {  	_ =	shalt  }
0x83: {  	_ =	shalt  }
0x84: {  	_ =	shalt  }
0x85: {  	_ =	shalt  }
0x86: {  	_ =	shalt  }
0x87: {  	_ =	shalt  }
.Lfunc_end0:
.L_simem_size_0:
called_computation.1_lowered:
.L_overlay_start_0:
0x88: {  	s2 =	sld [smem:$0x3FD9]  }
0x89: {  	s3 =	sld [smem:$0x3FFE];
	_ =	sdelay $0x1  }
0x8a: {  	s1 =	srdreg.scid  }
0x8b: {  	s0 =	sand.u32 $0x1, s1  }
0x8c: {  	s17 =	sshll.u32 s0, $0xA;
	s2 =	sadd.s32 s3, s2  }
0x8d: {  	s2 =	sadd.s32 s2, s17  }
0x8e: {  	[smem:$0x3FB4] =	sst s2  }
0x8f: {  	_ = 	snop  }
0x90: {  	s2 =	sld [smem:$0x3FD0];
	(tm) =	ssettm $0x1  }
0x91: {  	s18 =	sld [smem:$0x3FFB];
	_ =	sdelay $0x3  }
0x92: {  	_ =	strace s18  }
0x93: {  	s3 =	sld [smem:$0x3FFC];
	_ =	sdelay $0x3  }
0x94: {  	_ =	strace s3  }
0x95: {  	s3 =	sld [smem:$0x3FFD];
	_ =	sdelay $0x3  }
0x96: {  	_ =	strace s3  }
0x97: {  	_ =	strace $0x8FFFFFFF  }
0x98: {  	s19 =	sld [smem:$0x3FDB];
	_ =	sdelay $0x1  }
0x99: {  	s4 =	simm.s32 $_scs_section_size  }
0x9a: {  	s5 =	simm.s32 $_size__tile_overlayer_lowered;
	s6 =	simm.s32 $_tile_overlayer_lowered  }
0x9b: {  	s22 =	simm.s32 $0x1BFF;
	s21 =	sshll.u32 s6, $0x1;
	s3 =	sadd.s32 s4, s19  }
0x9c: {  	s7 =	simm.s32 $0x0;
	s20 =	sshll.u32 s5, $0x1;
	s5 =	sadd.s32 s21, s3  }
0x9d: {  	[timem:s7], [sflag:s22] =	dma.local [hbm:s5], s20  }
0x9e: {  	_ =	swait.ge [sflag:s22], s20  }
0x9f: {  	s4 =	ssub.s32 $0x0, s20;
	[sflag:s22] =	ssyncset.done $0x0  }
0xa0: {  	[sflag:s22] =	ssyncadd.s32 s4;
	_ =	sdelay $0x1  }
0xa1: {  	s23 =	simm.s32 $0x1B8B  }
0xa2: {  	_ =	swait.ge [sflag:s23], $0x1  }
0xa3: {  	[sflag:s23] =	ssyncset.done $0x0  }
0xa4: {  	s25 =	simm.s32 $0x1B8E;
	s24 =	sld [smem:$0x3FFE];
	[sflag:s23] =	ssyncadd.s32 $0xFFFFFFFF  }
0xa5: {  	s26 =	simm.s32 $execute0_lowered;
	[smem:$0x3FD2] =	sst s25  }
0xa6: {  	s5 =	sshll.u32 s26, $0x1;
	_ =	strace $0x80000049;
	[dreg:$0x1] =	wrdreg $0xFFFFFFFF  }
0xa7: {  	s28 =	simm.s32 $_size_execute0_lowered;
	s3 =	sadd.s32 s3, s5;
	[dreg:$0x0] =	wrdreg $0x0  }
0xa8: {  	s5 =	sshll.u32 s28, $0x1;
	[dreg:$0x2] =	wrdreg s3  }
0xa9: {  	[dreg:$0x3] =	wrdreg s5  }
0xaa: {  	[dreg:$0x4] =	wrdreg $0xC0  }
0xab: {  	_ =	task [dreg:s7], $0x5FFFF  }
0xac: {  	[dreg:$0x1] =	wrdreg $0xFFFFFFFF  }
0xad: {  	[dreg:$0x0] =	wrdreg $0x60  }
0xae: {  	[dreg:$0x2] =	wrdreg s24  }
0xaf: {  	[dreg:$0x3] =	wrdreg s2  }
0xb0: {  	[dreg:$0x4] =	wrdreg $0xB1000  }
0xb1: {  	[dreg:$0x5] =	wrdreg $0x9  }
0xb2: {  	_ =	task.clear_ibuf [dreg:s7], $0x6FFFF;
	_ =	strace $0x90000049  }
0xb3: {  	s29 =	simm.s32 $0x9;
	_ =	strace $0x8000004B  }
0xb4: {  	_ =	swait.ge [sflag:s29], $0x1  }
0xb5: {  	[sflag:s29] =	ssyncadd.s32 $0xFFFFFFFF  }
0xb6: {  	_ =	strace $0x9000004B  }
0xb7: {  	_ =	sfence  }
0xb8: {  	s30 =	sld [smem:$0x0];
	_ =	sdelay $0x2  }
0xb9: {  	s31 =	sshll.u32 s1, $0xD;
	s1 =	sshrl.u32 s1, $0x2  }
0xba: {  	s3 =	sand.u32 $0x4000, s31;
	s1 =	sadd.s32 s1, s30  }
0xbb: {  	s0 =	sor.u32 s3, s0;
	s1 =	sshll.u32 s1, $0x11  }
0xbc: {  	s0 =	sor.u32 s1, s0  }
0xbd: {  	s0 =	sadd.s32 $0x8F2B, s0  }
0xbe: {  	[sflag:s0] =	ssyncadd.remote.s32 $0x1  }
0xbf: {  	_ =	sfence.sel $0xFFFF  }
0xc0: {  	[dreg:$0x0] =	wrdreg $0xFFFFFFFF;
	(pc) =	sbr.abs _section_cstart, $3  }
0xc1: {  	[dreg:$0x1] =	wrdreg $0xFFFFFFFF  }
0xc2: {  	_ =	task.clear_ibuf [dreg:s7], $0x2FFFF;
	_ =	strace $0x9FFFFFFF  }
0xc3: {  	(tm) =	ssettm $0x7FFFFFFF  }
tec
execute0_lowered:
.L_overlay_start_1:
0x0: {  	(tag) =	ssettag $0x1  }
0x1: {  	s0 =	rddreg [dreg:$0x0]  }
0x2: {  	s2 =	rddreg [dreg:$0x2];
	s3 =	simm.s32 $0x0;
	s4 =	srdreg.scid  }
0x3: {  	s14 =	stileid.u32;
	s28 =	simm.s32 $0x3;
	s29 =	simm.s32 $0x1  }
0x4: {  	s30 =	simm.s32 $0x5;
	s31 =	simm.s32 $0x6;
	[smem:$0x7FF] =	sst s3  }
0x5: {  	s5 =	sadd.s32 $0x18E00, s0;
	s1 =	sadd.s32 $0x5200, s0;
	s6 =	sadd.s32 $0xF000, s0  }
0x6: {  	s4 =	sand.u32 $0x1, s4;
	s8 =	sshll.u32 s14, $0x1;
	s9 =	smul.u32 $0x4E000, s14  }
0x7: {  	s0 =	sadd.s32 $0x40000, s0;
	s11 =	sshll.u32 s14, $0x6;
	s15 =	sadd.s32 $0x138000, s2  }
0x8: {  	s19 =	smul.u32 $0x4E20, s14;
	p0 =	sne.s32 s14, $0xF;
	_ =	strace $0x8000004A  }
0x9: {  	s7 =	ssub.s32 $0x2, s4;
	s8 =	sor.u32 s4, s8;
	s16 =	smul.u32 $0x138800, s4  }
0xa: {  	[dreg:$0x5] =	wrdreg s15;
	s4 =	smul.u32 $0x2710, s4;
	s10 =	sshrl.u32 s7, $0x1  }
0xb: {  	s9 =	sshrl.u32 s9, $0x2;
	s8 =	smul.u32 $0x2710, s8;
	s12 =	ssub.s32 s7, s10  }
0xc: {  	s13 =	sadd.s32 s9, s2;
	s7 =	sor.u32 $0x1C07, s11;
	s9 =	sshrl.u32 s16, $0x3  }
0xd: {  	s22 =	sadd.s32 s4, s19;
	s4 =	simm.s32 $0x2;
	[dreg:$0x4] =	wrdreg s13  }
0xe: {  	s8 =	sshrl.u32 s8, $0x3;
	s13 =	smul.u32 $0x13800, s14;
	s9 =	sadd.s32 s0, s9  }
0xf: {  	s23 =	smax.u32 s12, $0x1;
	s25 =	sadd.s32 $0x180, s22;
	s17 =	sadd.s32 s1, s8  }
0x10: {  	s18 =	sadd.s32 $0x4E0, s8;
	s10 =	sadd.s32 s6, s8;
	[dreg:$0xb] =	wrdreg s23  }
0x11: {  	s21 =	sadd.s32 $0x27000, s9;
	s23 =	simm.s32 $0x80;
	[dreg:$0x6] =	wrdreg s17  }
0x12: {  	s9 =	simm.s32 $0xA900;
	s1 =	sadd.s32 s1, s18;
	[dreg:$0xa] =	wrdreg s21  }
0x13: {  	s20 =	sadd.s32 s13, s16;
	s11 =	sadd.s32 s6, s18;
	[dreg:$0x7] =	wrdreg s1  }
0x14: {  	s24 =	sadd.s32 $0x10, s10;
	s26 =	sadd.s32 $0x20, s10;
	[dreg:$0x8] =	wrdreg s11  }
0x15: {  	s18 =	sadd.s32 $0x4D0, s10;
	s21 =	simm.s32 $0x7;
	[dreg:$0xc] =	wrdreg s24  }
0x16: {  	s8 =	sshrl.u32 s20, $0x3;
	[dreg:$0xd] =	wrdreg s26;
	s1 =	sshrl.u32 s25, $0x3  }
0x17: {  	s24 =	simm.s32 $0x2800;
	s25 =	simm.s32 $0x2780;
	s26 =	simm.s32 $0x6800  }
0x18: {  	s11 =	simm.s32 $0x0;
	s0 =	sadd.s32 s0, s8;
	s19 =	sadd.s32 s1, s6  }
0x19: {  	s1 =	simm.s32 $0xA800;
	[dreg:$0x9] =	wrdreg s0;
	s0 =	sadd.s32 $0x200, s22  }
0x1a: {  	s8 =	simm.s32 $0x10;
	s22 =	simm.s32 $0x2700;
	s0 =	sshrl.u32 s0, $0x3  }
0x1b: {  	s20 =	sadd.s32 s0, s6;
	s0 =	simm.s32 $0x4;
	s6 =	simm.s32 $0xA880  }
.LBB2_1:
0x1c: {  	s12 =	rddreg [dreg:$0x4]  }
0x1d: {  	s14 =	rddreg [dreg:$0x1];
	s12 =	sshrl.u32 s12, $0x3  }
0x1e: {  	[spmem:s12], [sflag:s7] =	dma.local [hbm:s14], $0x2700  }
0x1f: {  	_ =	swait.ge [sflag:s21], $0x2700  }
0x20: {  	[sflag:s21] =	ssyncset.done $0x0;
	s13 =	rddreg [dreg:$0x5]  }
0x21: {  	[sflag:s21] =	ssyncadd.s32 $0xFFFFD900;
	s13 =	sshrl.u32 @!p0 s13, $0x3  }
0x22: {  	[spmem:s13], [sflag:s7] =	dma.local @!p0 [hbm:s14], $0x100  }
0x23: {  	s14 =	simm.s32 @!p0 $0x7  }
0x24: {  	_ =	swait.ge @!p0 [sflag:s14], $0x100  }
0x25: {  	[sflag:s14] =	ssyncset.done @!p0 $0x0  }
0x26: {  	s16 =	rddreg [dreg:$0x6];
	[sflag:s14] =	ssyncadd.s32 @!p0 $0xFFFFFF00  }
0x27: {  	[tilespmem:s3], [sflag:$0x7] =	stream.linear.gather [hbm4b:s16+s3], $0x2700, $0x38;
	[tilespmem:$0x1E980] =	vst v63  }
0x28: {  	_ =	swait.ge [sflag:s21], $0x2700  }
0x29: {  	[sflag:s21] =	ssyncset.done $0x0  }
0x2a: {  	[sflag:s21] =	ssyncadd.s32 $0xFFFFD900  }
0x2b: {  	[bflag:$0x0] =	sbarrier.arrive $0xFFFF  }
0x2c: {  	[tilespmem:s22], [sflag:$0x1] =	stream.linear.gather [hbm4b:s10+s3], $0x80, $0x38;
	[tilespmem:$0x1E980] =	vst v63  }
0x2d: {  	_ = 	snop  }
0x2e: {  	[tilespmem:s24], [sflag:$0x3] =	stream.indirect.gather [hbm4b:s5+s23], $0x80, s3, s23, $0xb8;
	[tilespmem:$0x1E980] =	vst v63  }
0x2f: {  	s17 =	rddreg [dreg:$0xc]  }
0x30: {  	[tilespmem:s25], [sflag:$0x2] =	stream.linear.gather [hbm4b:s17+s3], $0x80, $0x38;
	[tilespmem:$0x1E980] =	vst v63  }
0x31: {  	_ = 	snop  }
0x32: {  	[tilespmem:s26], [sflag:$0x4] =	stream.indirect.gather [hbm4b:s5+s23], $0x80, s23, s23, $0xb8;
	[tilespmem:$0x1E980] =	vst v63  }
0x33: {  	_ =	swait.ge [sflag:s28], $0x4000  }
0x34: {  	[sflag:s28] =	ssyncset.done $0x0  }
0x35: {  	[sflag:s28] =	ssyncadd.s32 $0xFFFFC000  }
0x36: {  	_ =	swait.ge [sflag:s29], $0x80  }
0x37: {  	[sflag:s29] =	ssyncset.done $0x0  }
0x38: {  	[sflag:s29] =	ssyncadd.s32 $0xFFFFFF80  }
0x39: {  	[spmem:s2] =	stream.indirect.scatter.add.f32 [tilespmem:s24], [sflag:$0x5], $0x80, s22, s23, $0xb8;
	[tilespmem:$0x1E980] =	vst v63  }
0x3a: {  	_ =	swait.ge [sflag:s30], $0x4000  }
0x3b: {  	[sflag:s30] =	ssyncset.done $0x0  }
0x3c: {  	s15 =	rddreg [dreg:$0xd];
	[sflag:s30] =	ssyncadd.s32 $0xFFFFC000  }
0x3d: {  	[tilespmem:s22], [sflag:$0x1] =	stream.linear.gather [hbm4b:s15+s3], $0x80, $0x38;
	[tilespmem:$0x1E980] =	vst v63  }
0x3e: {  	s16 =	simm.s32 $0x100  }
0x3f: {  	[tilespmem:s24], [sflag:$0x3] =	stream.indirect.gather [hbm4b:s5+s23], $0x80, s16, s23, $0xb8;
	[tilespmem:$0x1E980] =	vst v63  }
0x40: {  	_ =	swait.ge [sflag:s0], $0x4000  }
0x41: {  	[sflag:s0] =	ssyncset.done $0x0  }
0x42: {  	[sflag:s0] =	ssyncadd.s32 $0xFFFFC000  }
0x43: {  	_ =	swait.ge [sflag:s4], $0x80  }
0x44: {  	[sflag:s4] =	ssyncset.done $0x0  }
0x45: {  	[sflag:s4] =	ssyncadd.s32 $0xFFFFFF80  }
0x46: {  	[spmem:s2] =	stream.indirect.scatter.add.f32 [tilespmem:s26], [sflag:$0x6], $0x80, s25, s23, $0xb8;
	[tilespmem:$0x1E980] =	vst v63  }
0x47: {  	_ =	swait.ge [sflag:s31], $0x4000  }
0x48: {  	[sflag:s31] =	ssyncset.done $0x0  }
0x49: {  	s17 =	sadd.s32 $0x0, s19;
	[sflag:s31] =	ssyncadd.s32 $0xFFFFC000  }
0x4a: {  	[tilespmem:s25], [sflag:$0x2] =	stream.linear.gather [hbm4b:s17+s3], $0x80, $0x38;
	[tilespmem:$0x1E980] =	vst v63  }
0x4b: {  	s15 =	simm.s32 $0x180  }
0x4c: {  	[tilespmem:s26], [sflag:$0x4] =	stream.indirect.gather [hbm4b:s5+s23], $0x80, s15, s23, $0xb8;
	[tilespmem:$0x1E980] =	vst v63  }
0x4d: {  	_ =	swait.ge [sflag:s28], $0x4000  }
0x4e: {  	[sflag:s28] =	ssyncset.done $0x0  }
0x4f: {  	[sflag:s28] =	ssyncadd.s32 $0xFFFFC000  }
0x50: {  	_ =	swait.ge [sflag:s29], $0x80  }
0x51: {  	[sflag:s29] =	ssyncset.done $0x0  }
0x52: {  	[sflag:s29] =	ssyncadd.s32 $0xFFFFFF80  }
0x53: {  	[spmem:s2] =	stream.indirect.scatter.add.f32 [tilespmem:s24], [sflag:$0x5], $0x80, s22, s23, $0xb8;
	[tilespmem:$0x1E980] =	vst v63  }
0x54: {  	_ =	swait.ge [sflag:s30], $0x4000  }
0x55: {  	[sflag:s30] =	ssyncset.done $0x0  }
0x56: {  	s16 =	sadd.s32 $0x0, s20;
	[sflag:s30] =	ssyncadd.s32 $0xFFFFC000  }
0x57: {  	[tilespmem:s22], [sflag:$0x1] =	stream.linear.gather [hbm4b:s16+s3], $0x80, $0x38;
	[tilespmem:$0x1E980] =	vst v63  }
0x58: {  	s17 =	simm.s32 $0x200  }
0x59: {  	[tilespmem:s24], [sflag:$0x3] =	stream.indirect.gather [hbm4b:s5+s23], $0x80, s17, s23, $0xb8;
	[tilespmem:$0x1E980] =	vst v63  }
0x5a: {  	_ =	swait.ge [sflag:s0], $0x4000  }
0x5b: {  	[sflag:s0] =	ssyncset.done $0x0  }
0x5c: {  	[sflag:s0] =	ssyncadd.s32 $0xFFFFC000  }
0x5d: {  	_ =	swait.ge [sflag:s4], $0x80  }
0x5e: {  	[sflag:s4] =	ssyncset.done $0x0  }
0x5f: {  	s14 =	simm.s32 $0x20;
	s15 =	simm.s32 $0x280;
	[sflag:s4] =	ssyncadd.s32 $0xFFFFFF80  }
.LBB2_2:
0x60: {  	[spmem:s2] =	stream.indirect.scatter.add.f32 [tilespmem:s26], [sflag:$0x6], $0x80, s25, s23, $0xb8;
	[tilespmem:$0x1E980] =	vst v63  }
0x61: {  	s16 =	smov.u32 s14  }
0x62: {  	p1 =	sne.s32 s14, $0x480;
	s14 =	sadd.s32 $0x20, s14;
	_ =	swait.ge [sflag:s31], $0x4000  }
0x63: {  	[sflag:s31] =	ssyncset.done $0x0  }
0x64: {  	s17 =	sadd.s32 s16, s19;
	[sflag:s31] =	ssyncadd.s32 $0xFFFFC000  }
0x65: {  	[tilespmem:s25], [sflag:$0x2] =	stream.linear.gather [hbm4b:s17+s3], $0x80, $0x38;
	[tilespmem:$0x1E980] =	vst v63  }
0x66: {  	_ = 	snop  }
0x67: {  	[tilespmem:s26], [sflag:$0x4] =	stream.indirect.gather [hbm4b:s5+s23], $0x80, s15, s23, $0xb8;
	[tilespmem:$0x1E980] =	vst v63  }
0x68: {  	_ =	swait.ge [sflag:s28], $0x4000  }
0x69: {  	[sflag:s28] =	ssyncset.done $0x0  }
0x6a: {  	[sflag:s28] =	ssyncadd.s32 $0xFFFFC000  }
0x6b: {  	_ =	swait.ge [sflag:s29], $0x80  }
0x6c: {  	[sflag:s29] =	ssyncset.done $0x0  }
0x6d: {  	[sflag:s29] =	ssyncadd.s32 $0xFFFFFF80  }
0x6e: {  	[spmem:s2] =	stream.indirect.scatter.add.f32 [tilespmem:s24], [sflag:$0x5], $0x80, s22, s23, $0xb8;
	[tilespmem:$0x1E980] =	vst v63  }
0x6f: {  	_ =	swait.ge [sflag:s30], $0x4000  }
0x70: {  	[sflag:s30] =	ssyncset.done $0x0  }
0x71: {  	s16 =	sadd.s32 s16, s20;
	[sflag:s30] =	ssyncadd.s32 $0xFFFFC000  }
0x72: {  	[tilespmem:s22], [sflag:$0x1] =	stream.linear.gather [hbm4b:s16+s3], $0x80, $0x38;
	[tilespmem:$0x1E980] =	vst v63  }
0x73: {  	s16 =	sadd.s32 $0x80, s15  }
0x74: {  	[tilespmem:s24], [sflag:$0x3] =	stream.indirect.gather [hbm4b:s5+s23], $0x80, s16, s23, $0xb8;
	[tilespmem:$0x1E980] =	vst v63  }
0x75: {  	_ =	swait.ge [sflag:s0], $0x4000  }
.Ltmp0:
0x76: {  	[sflag:s0] =	ssyncset.done $0x0;
	(pc) =	sbr.rel @p1 .LBB2_2-.Ltmp0, $4  }
0x77: {  	[sflag:s0] =	ssyncadd.s32 $0xFFFFC000  }
0x78: {  	_ =	swait.ge [sflag:s4], $0x80  }
0x79: {  	[sflag:s4] =	ssyncset.done $0x0  }
0x7a: {  	s15 =	sadd.s32 $0x100, s15;
	[sflag:s4] =	ssyncadd.s32 $0xFFFFFF80  }
0x7b: {  	[spmem:s2] =	stream.indirect.scatter.add.f32 [tilespmem:s26], [sflag:$0x6], $0x80, s25, s23, $0xb8;
	[tilespmem:$0x1E980] =	vst v63  }
0x7c: {  	_ =	swait.ge [sflag:s31], $0x4000  }
0x7d: {  	[sflag:s31] =	ssyncset.done $0x0  }
0x7e: {  	[sflag:s31] =	ssyncadd.s32 $0xFFFFC000  }
0x7f: {  	[tilespmem:s25], [sflag:$0x2] =	stream.linear.gather [hbm4b:s18+s3], $0x80, $0x38;
	[tilespmem:$0x1E980] =	vst v63  }
0x80: {  	s14 =	simm.s32 $0x2680  }
0x81: {  	[tilespmem:s26], [sflag:$0x4] =	stream.indirect.gather [hbm4b:s5+s23], $0x80, s14, s23, $0xb8;
	[tilespmem:$0x1E980] =	vst v63  }
0x82: {  	_ =	swait.ge [sflag:s28], $0x4000  }
0x83: {  	[sflag:s28] =	ssyncset.done $0x0  }
0x84: {  	[sflag:s28] =	ssyncadd.s32 $0xFFFFC000  }
0x85: {  	_ =	swait.ge [sflag:s29], $0x80  }
0x86: {  	[sflag:s29] =	ssyncset.done $0x0  }
0x87: {  	[sflag:s29] =	ssyncadd.s32 $0xFFFFFF80  }
0x88: {  	[spmem:s2] =	stream.indirect.scatter.add.f32 [tilespmem:s24], [sflag:$0x5], $0x80, s22, s23, $0xb8;
	[tilespmem:$0x1E980] =	vst v63  }
0x89: {  	_ =	swait.ge [sflag:s0], $0x4000  }
0x8a: {  	[sflag:s0] =	ssyncset.done $0x0  }
0x8b: {  	[sflag:s0] =	ssyncadd.s32 $0xFFFFC000  }
0x8c: {  	_ =	swait.ge [sflag:s4], $0x80  }
0x8d: {  	[sflag:s4] =	ssyncset.done $0x0  }
0x8e: {  	[sflag:s4] =	ssyncadd.s32 $0xFFFFFF80  }
0x8f: {  	[spmem:s2] =	stream.indirect.scatter.add.f32 [tilespmem:s26], [sflag:$0x6], $0x80, s25, s23, $0xb8;
	[tilespmem:$0x1E980] =	vst v63  }
0x90: {  	_ =	swait.ge [sflag:s30], $0x4000  }
0x91: {  	[sflag:s30] =	ssyncset.done $0x0  }
0x92: {  	[sflag:s30] =	ssyncadd.s32 $0xFFFFC000  }
0x93: {  	_ =	swait.ge [sflag:s31], $0x4000  }
0x94: {  	[sflag:s31] =	ssyncset.done $0x0  }
0x95: {  	s17 =	rddreg [dreg:$0x7];
	[sflag:s31] =	ssyncadd.s32 $0xFFFFC000  }
0x96: {  	[tilespmem:s1], [sflag:$0x7] =	stream.linear.gather [hbm4b:s17+s3], $0x10, $0x38;
	[tilespmem:$0x1E980] =	vst v63  }
0x97: {  	_ =	swait.ge [sflag:s21], $0x10  }
0x98: {  	[sflag:s21] =	ssyncset.done $0x0  }
0x99: {  	s15 =	rddreg [dreg:$0x8];
	[sflag:s21] =	ssyncadd.s32 $0xFFFFFFF0  }
0x9a: {  	[tilespmem:s6], [sflag:$0x7] =	stream.linear.gather [hbm4b:s15+s3], $0x10, $0x38;
	[tilespmem:$0x1E980] =	vst v63  }
0x9b: {  	_ =	swait.ge [sflag:s21], $0x10  }
0x9c: {  	[sflag:s21] =	ssyncset.done $0x0  }
0x9d: {  	[sflag:s21] =	ssyncadd.s32 $0xFFFFFFF0  }
0x9e: {  	[tilespmem:s9], [sflag:$0x3] =	stream.indirect.gather [hbm4b:s5+s8], $0x80, s1, s8, $0xb8;
	[tilespmem:$0x1E980] =	vst v63  }
0x9f: {  	_ =	swait.ge [sflag:s28], $0x800  }
0xa0: {  	[sflag:s28] =	ssyncset.done $0x0  }
0xa1: {  	[sflag:s28] =	ssyncadd.s32 $0xFFFFF800  }
0xa2: {  	[spmem:s2] =	stream.indirect.scatter.add.f32 [tilespmem:s9], [sflag:$0x7], $0x80, s6, s8, $0xb8;
	[tilespmem:$0x1E980] =	vst v63  }
0xa3: {  	_ =	swait.ge [sflag:s21], $0x800  }
0xa4: {  	[sflag:s21] =	ssyncset.done $0x0  }
0xa5: {  	[sflag:s21] =	ssyncadd.s32 $0xFFFFF800  }
0xa6: {  	[bflag:$0x0] =	sbarrier.arrive $0xFFFF  }
0xa7: {  	s16 =	rddreg [dreg:$0x9]  }
0xa8: {  	[hbm:s16], [sflag:s7] =	dma.local [spmem:s12], $0x2700  }
0xa9: {  	_ =	swait.ge [sflag:s21], $0x2700  }
0xaa: {  	[sflag:s21] =	ssyncset.done $0x0  }
0xab: {  	s12 =	rddreg [dreg:$0xa];
	[sflag:s21] =	ssyncadd.s32 $0xFFFFD900  }
0xac: {  	[hbm:s12], [sflag:s7] =	dma.local @!p0 [spmem:s13], $0x100  }
0xad: {  	s12 =	simm.s32 @!p0 $0x7  }
0xae: {  	_ =	swait.ge @!p0 [sflag:s12], $0x100  }
0xaf: {  	s11 =	sadd.s32 $0x1, s11;
	s17 =	rddreg [dreg:$0xb]  }
0xb0: {  	p1 =	sne.s32 s11, s17  }
.Ltmp1:
0xb1: {  	_ = 	snop;
	(pc) =	sbr.rel @p1 .LBB2_1-.Ltmp1, $3  }
0xb2: {  	_ =	sdelay $0x1  }
0xb3: {  	[sflag:s12] =	ssyncset.done @!p0 $0x0  }
0xb4: {  	[sflag:s12] =	ssyncadd.s32 @!p0 $0xFFFFFF00  }
0xb5: {  	_ =	sfence.sel $0x180000  }
0xb6: {  	[bflag:$0x0] =	sbarrier.arrive $0xFFFF  }
0xb7: {  	_ =	strace $0x9000004A  }
0xb8: {  	s0 =	stileid.u32;
	[bflag:$0x2] =	sbarrier.arrive $0xFFFF  }
0xb9: {  	p0 =	sne.s32 s0, $0x0;
	s0 =	rddreg [dreg:$0x3]  }
0xba: {  	s0 =	sadd.s32 @!p0 $0x100000, s0  }
0xbb: {  	[sflag:s0] =	ssyncadd.tile.s32 @!p0 $0x1;
	_ =	shalt  }
.Lfunc_end2:
_tile_overlayer_lowered:
.L_overlay_start_2:
0xbc: {  	(tag) =	ssettag $0x2  }
0xbd: {  	s0 =	rddreg [dreg:$0x0];
	s2 =	stileid.u32  }
0xbe: {  	s1 =	rddreg [dreg:$0x1];
	p0 =	sne.s32 s2, $0x0  }
0xbf: {  	s3 =	rddreg [dreg:$0x2];
	[bflag:$0x3] =	sbarrier.arrive $0xFFFF;
	s2 =	simm.s32 @!p0 $0x1C07  }
0xc0: {  	[timem:s3], [sflag:s2] =	dma.local @!p0 [hbm:s0], s1  }
0xc1: {  	s0 =	simm.s32 @!p0 $0x7  }
0xc2: {  	_ =	swait.ge @!p0 [sflag:s0], s1  }
0xc3: {  	s1 =	ssub.s32 @!p0 $0x0, s1;
	[sflag:s0] =	ssyncset.done @!p0 $0x0  }
0xc4: {  	[sflag:s0] =	ssyncadd.s32 @!p0 s1  }
0xc5: {  	[bflag:$0x3] =	sbarrier.arrive $0xFFFF  }
0xc6: {  	_ =	shalt  }

// kernel: kernel.17.cloned.1.call-start
scs
__scs_entry_jumppad:
0x0: {  	(pc) =	sbr.rel $0x88, $3  }
0x1: {  	(tag) =	ssettag $0x0;
	lr =	simm.s32 $0x1  }
0x2: {  	[smem:$0x3F8D] =	sst lr;
	_ =	strace $0xD0000000  }
0x3: {  	_ = 	snop  }
0x4: {  	_ = 	snop  }
0x5: {  	_ = 	snop  }
0x6: {  	_ = 	snop  }
0x7: {  	_ = 	snop  }
__scs_overlays_trampoline_lowered:
0x8: {  	[smem:$0x3F9C] =	sst s0  }
0x9: {  	[smem:$0x3F9D] =	sst s1  }
0xa: {  	[smem:$0x3F9E] =	sst s2  }
0xb: {  	[smem:$0x3F9F] =	sst s3  }
0xc: {  	[smem:$0x3FA0] =	sst s4  }
0xd: {  	[smem:$0x3FA1] =	sst s5  }
0xe: {  	[smem:$0x3FA2] =	sst s6  }
0xf: {  	[smem:$0x3FA3] =	sst s7  }
0x10: {  	[smem:$0x3FA4] =	sst s8  }
0x11: {  	[smem:$0x3FA5] =	sst s9;
	s0 =	simm.s32 @!p0 $0x0  }
0x12: {  	s1 =	sld [smem:$0x3F8B];
	s0 =	simm.s32 @p0 $0x1  }
0x13: {  	[smem:$0x3FA6] =	sst s0;
	s0 =	simm.s32 @!p1 $0x0  }
0x14: {  	s2 =	sld [smem:$0x3F8A];
	s0 =	simm.s32 @p1 $0x1  }
0x15: {  	[smem:$0x3FA7] =	sst s0;
	s0 =	simm.s32 @!p2 $0x0  }
0x16: {  	s3 =	sld [smem:$0x3FDB];
	s0 =	simm.s32 @p2 $0x1  }
0x17: {  	s4 =	simm.s32 $0x1BF5;
	[smem:$0x3FA9] =	sst s0  }
0x18: {  	s0 =	sld [smem:$0x3F8C];
	_ =	swait.ge [sflag:s4], $0x0  }
0x19: {  	s7 =	sld [smem:$0x3F8D]  }
0x1a: {  	s8 =	sadd.s32 $0xFFFFE003, lr  }
0x1b: {  	s9 =	sadd.s32 $0xFFFFFEF7, lr;
	s5 =	simm.s32 $0xFFFFFFFF;
	p2 =	slt.u32 s8, $0xFFFFF086  }
0x1c: {  	p1 =	slt.u32 s9, $0xF7A;
	s5 =	simm.s32 @!p2 $0x0  }
0x1d: {  	s5 =	simm.s32 @p1 $0x1;
	p0 =	seq.s32 s7, s2  }
0x1e: {  	s7 =	smul.u32 @!p0 $0xF7A, s2;
	p2 =	seq.s32 @!p0 s5, $0x0  }
0x1f: {  	s9 =	smul.u32 $0xF7A, s1;
	s8 =	simm.s32 @!p0 $0x1BF5;
	p2 =	por !p2, p0  }
0x20: {  	[sflag:s8] =	ssyncset.s32 @!p0 $0xFFFFF086;
	s6 =	sadd.s32 @!p0 s3, s7;
	s7 =	simm.s32 @!p0 $0x108  }
0x21: {  	s3 =	sadd.s32 s3, s9;
	s6 =	sadd.s32 @!p0 $0x88, s6;
	s7 =	simm.s32 @p2 $0x1082  }
0x22: {  	[simem:s7], [sflag:s8] =	dma.local @!p0 [hbm:s6], $0xF7A  }
0x23: {  	s9 =	sor.u32 $0xD0000000, s2;
	s6 =	simm.s32 $0x108;
	_ =	swait.ge @!p0 [sflag:s8], $0x0  }
0x24: {  	s3 =	sadd.s32 $0x88, s3;
	s6 =	simm.s32 @!p1 $0x1082;
	[sflag:s4] =	ssyncset.s32 $0xFFFFF086  }
0x25: {  	[simem:s6], [sflag:s4] =	dma.local [hbm:s3], $0xF7A  }
0x26: {  	[smem:$0x3F8D] =	sst s1;
	(tag) =	ssettag s2;
	_ =	strace s9  }
0x27: {  	s1 =	sld [smem:$0x3F9D]  }
0x28: {  	s2 =	sld [smem:$0x3F9E]  }
0x29: {  	s4 =	sld [smem:$0x3FA0]  }
0x2a: {  	p0 =	seq.s32 s5, $0x0;
	s5 =	sld [smem:$0x3FA1]  }
0x2b: {  	s6 =	sld [smem:$0x3FA2]  }
0x2c: {  	s7 =	sld [smem:$0x3FA3]  }
0x2d: {  	s3 =	simm.s32 $0x108;
	s8 =	sld [smem:$0x3FA4]  }
0x2e: {  	s3 =	simm.s32 @!p0 $0x1082;
	s9 =	sld [smem:$0x3FA5]  }
0x2f: {  	lr =	sadd.s32 s0, s3;
	s0 =	sld [smem:$0x3F9C]  }
0x30: {  	s3 =	sld [smem:$0x3F9F]  }
0x31: {  	[smem:$0x3FA8] =	sst s10  }
0x32: {  	s10 =	sld [smem:$0x3FA6];
	_ =	sdelay $0x3  }
0x33: {  	p0 =	seq.s32 s10, $0x1;
	s10 =	sld [smem:$0x3FA8];
	_ =	sdelay $0x3  }
0x34: {  	[smem:$0x3FA8] =	sst s10  }
0x35: {  	s10 =	sld [smem:$0x3FA7];
	_ =	sdelay $0x3  }
0x36: {  	p1 =	seq.s32 s10, $0x1;
	s10 =	sld [smem:$0x3FA8];
	_ =	sdelay $0x3  }
0x37: {  	[smem:$0x3FA8] =	sst s10  }
0x38: {  	s10 =	sld [smem:$0x3FA9]  }
0x39: {  	_ = 	snop;
	(pc) =	sbr.ind lr, $3  }
0x3a: {  	_ = 	snop  }
0x3b: {  	_ = 	snop  }
0x3c: {  	p2 =	seq.s32 s10, $0x1;
	s10 =	sld [smem:$0x3FA8]  }
0x3d: {  	_ =	shalt  }
0x3e: {  	_ =	shalt  }
0x3f: {  	_ =	shalt  }
0x40: {  	_ =	shalt  }
0x41: {  	_ =	shalt  }
0x42: {  	_ =	shalt  }
0x43: {  	_ =	shalt  }
0x44: {  	_ =	shalt  }
0x45: {  	_ =	shalt  }
0x46: {  	_ =	shalt  }
0x47: {  	_ =	shalt  }
0x48: {  	_ =	shalt  }
0x49: {  	_ =	shalt  }
0x4a: {  	_ =	shalt  }
0x4b: {  	_ =	shalt  }
0x4c: {  	_ =	shalt  }
0x4d: {  	_ =	shalt  }
0x4e: {  	_ =	shalt  }
0x4f: {  	_ =	shalt  }
0x50: {  	_ =	shalt  }
0x51: {  	_ =	shalt  }
0x52: {  	_ =	shalt  }
0x53: {  	_ =	shalt  }
0x54: {  	_ =	shalt  }
0x55: {  	_ =	shalt  }
0x56: {  	_ =	shalt  }
0x57: {  	_ =	shalt  }
0x58: {  	_ =	shalt  }
0x59: {  	_ =	shalt  }
0x5a: {  	_ =	shalt  }
0x5b: {  	_ =	shalt  }
0x5c: {  	_ =	shalt  }
0x5d: {  	_ =	shalt  }
0x5e: {  	_ =	shalt  }
0x5f: {  	_ =	shalt  }
0x60: {  	_ =	shalt  }
0x61: {  	_ =	shalt  }
0x62: {  	_ =	shalt  }
0x63: {  	_ =	shalt  }
0x64: {  	_ =	shalt  }
0x65: {  	_ =	shalt  }
0x66: {  	_ =	shalt  }
0x67: {  	_ =	shalt  }
0x68: {  	_ =	shalt  }
0x69: {  	_ =	shalt  }
0x6a: {  	_ =	shalt  }
0x6b: {  	_ =	shalt  }
0x6c: {  	_ =	shalt  }
0x6d: {  	_ =	shalt  }
0x6e: {  	_ =	shalt  }
0x6f: {  	_ =	shalt  }
0x70: {  	_ =	shalt  }
0x71: {  	_ =	shalt  }
0x72: {  	_ =	shalt  }
0x73: {  	_ =	shalt  }
0x74: {  	_ =	shalt  }
0x75: {  	_ =	shalt  }
0x76: {  	_ =	shalt  }
0x77: {  	_ =	shalt  }
0x78: {  	_ =	shalt  }
0x79: {  	_ =	shalt  }
0x7a: {  	_ =	shalt  }
0x7b: {  	_ =	shalt  }
0x7c: {  	_ =	shalt  }
0x7d: {  	_ =	shalt  }
0x7e: {  	_ =	shalt  }
0x7f: {  	_ =	shalt  }
0x80: {  	_ =	shalt  }
0x81: {  	_ =	shalt  }
0x82: {  	_ =	shalt  }
0x83: {  	_ =	shalt  }
0x84: {  	_ =	shalt  }
0x85: {  	_ =	shalt  }
0x86: {  	_ =	shalt  }
0x87: {  	_ =	shalt  }
.Lfunc_end0:
.L_simem_size_0:
called_computation.2_lowered:
.L_overlay_start_0:
0x88: {  	s2 =	sld [smem:$0x3FD9]  }
0x89: {  	s3 =	sld [smem:$0x3FFE];
	_ =	sdelay $0x1  }
0x8a: {  	s1 =	srdreg.scid  }
0x8b: {  	s0 =	sand.u32 $0x1, s1  }
0x8c: {  	s17 =	sshll.u32 s0, $0xA;
	s2 =	sadd.s32 s3, s2  }
0x8d: {  	s2 =	sadd.s32 s2, s17  }
0x8e: {  	[smem:$0x3FB4] =	sst s2  }
0x8f: {  	_ = 	snop  }
0x90: {  	s2 =	sld [smem:$0x3FD0];
	(tm) =	ssettm $0x1  }
0x91: {  	s18 =	sld [smem:$0x3FFB];
	_ =	sdelay $0x3  }
0x92: {  	_ =	strace s18  }
0x93: {  	s3 =	sld [smem:$0x3FFC];
	_ =	sdelay $0x3  }
0x94: {  	_ =	strace s3  }
0x95: {  	s3 =	sld [smem:$0x3FFD];
	_ =	sdelay $0x3  }
0x96: {  	_ =	strace s3  }
0x97: {  	_ =	strace $0x8FFFFFFF  }
0x98: {  	s19 =	sld [smem:$0x3FDB];
	_ =	sdelay $0x1  }
0x99: {  	s4 =	simm.s32 $_scs_section_size  }
0x9a: {  	s5 =	simm.s32 $_size__tile_overlayer_lowered;
	s6 =	simm.s32 $_tile_overlayer_lowered  }
0x9b: {  	s22 =	simm.s32 $0x1BFF;
	s21 =	sshll.u32 s6, $0x1;
	s3 =	sadd.s32 s4, s19  }
0x9c: {  	s7 =	simm.s32 $0x0;
	s20 =	sshll.u32 s5, $0x1;
	s5 =	sadd.s32 s21, s3  }
0x9d: {  	[timem:s7], [sflag:s22] =	dma.local [hbm:s5], s20  }
0x9e: {  	_ =	swait.ge [sflag:s22], s20  }
0x9f: {  	s4 =	ssub.s32 $0x0, s20;
	[sflag:s22] =	ssyncset.done $0x0  }
0xa0: {  	[sflag:s22] =	ssyncadd.s32 s4;
	_ =	sdelay $0x1  }
0xa1: {  	s23 =	simm.s32 $0x1B8B  }
0xa2: {  	_ =	swait.ge [sflag:s23], $0x1  }
0xa3: {  	[sflag:s23] =	ssyncset.done $0x0  }
0xa4: {  	s25 =	simm.s32 $0x1B8E;
	s24 =	sld [smem:$0x3FFE];
	[sflag:s23] =	ssyncadd.s32 $0xFFFFFFFF  }
0xa5: {  	s26 =	simm.s32 $execute0_lowered;
	[smem:$0x3FD2] =	sst s25  }
0xa6: {  	s5 =	sshll.u32 s26, $0x1;
	_ =	strace $0x8000004C;
	[dreg:$0x1] =	wrdreg $0xFFFFFFFF  }
0xa7: {  	s28 =	simm.s32 $_size_execute0_lowered;
	s3 =	sadd.s32 s3, s5;
	[dreg:$0x0] =	wrdreg $0x0  }
0xa8: {  	s5 =	sshll.u32 s28, $0x1;
	[dreg:$0x2] =	wrdreg s3  }
0xa9: {  	[dreg:$0x3] =	wrdreg s5  }
0xaa: {  	[dreg:$0x4] =	wrdreg $0xC0  }
0xab: {  	_ =	task [dreg:s7], $0x5FFFF  }
0xac: {  	[dreg:$0x1] =	wrdreg $0xFFFFFFFF  }
0xad: {  	[dreg:$0x0] =	wrdreg $0x60  }
0xae: {  	[dreg:$0x2] =	wrdreg s24  }
0xaf: {  	[dreg:$0x3] =	wrdreg s2  }
0xb0: {  	[dreg:$0x4] =	wrdreg $0xB1000  }
0xb1: {  	[dreg:$0x5] =	wrdreg $0x9  }
0xb2: {  	_ =	task.clear_ibuf [dreg:s7], $0x6FFFF;
	_ =	strace $0x9000004C  }
0xb3: {  	s29 =	simm.s32 $0x9;
	_ =	strace $0x8000004E  }
0xb4: {  	_ =	swait.ge [sflag:s29], $0x1  }
0xb5: {  	[sflag:s29] =	ssyncadd.s32 $0xFFFFFFFF  }
0xb6: {  	_ =	strace $0x9000004E  }
0xb7: {  	_ =	sfence  }
0xb8: {  	s30 =	sld [smem:$0x0];
	_ =	sdelay $0x2  }
0xb9: {  	s31 =	sshll.u32 s1, $0xD;
	s1 =	sshrl.u32 s1, $0x2  }
0xba: {  	s3 =	sand.u32 $0x4000, s31;
	s1 =	sadd.s32 s1, s30  }
0xbb: {  	s0 =	sor.u32 s3, s0;
	s1 =	sshll.u32 s1, $0x11  }
0xbc: {  	s0 =	sor.u32 s1, s0  }
0xbd: {  	s0 =	sadd.s32 $0x8F2B, s0  }
0xbe: {  	[sflag:s0] =	ssyncadd.remote.s32 $0x1  }
0xbf: {  	_ =	sfence.sel $0xFFFF  }
0xc0: {  	[dreg:$0x0] =	wrdreg $0xFFFFFFFF;
	(pc) =	sbr.abs _section_cstart, $3  }
0xc1: {  	[dreg:$0x1] =	wrdreg $0xFFFFFFFF  }
0xc2: {  	_ =	task.clear_ibuf [dreg:s7], $0x2FFFF;
	_ =	strace $0x9FFFFFFF  }
0xc3: {  	(tm) =	ssettm $0x7FFFFFFF  }
tec
execute0_lowered:
.L_overlay_start_1:
0x0: {  	(tag) =	ssettag $0x1  }
0x1: {  	s0 =	rddreg [dreg:$0x0]  }
0x2: {  	s2 =	rddreg [dreg:$0x2];
	s3 =	simm.s32 $0x0;
	s4 =	srdreg.scid  }
0x3: {  	s14 =	stileid.u32;
	s28 =	simm.s32 $0x3;
	s29 =	simm.s32 $0x1  }
0x4: {  	s30 =	simm.s32 $0x5;
	s31 =	simm.s32 $0x6;
	[smem:$0x7FF] =	sst s3  }
0x5: {  	s5 =	sadd.s32 $0x18E00, s0;
	s1 =	sadd.s32 $0x5200, s0;
	s6 =	sadd.s32 $0xF000, s0  }
0x6: {  	s4 =	sand.u32 $0x1, s4;
	s8 =	sshll.u32 s14, $0x1;
	s9 =	smul.u32 $0x4E000, s14  }
0x7: {  	s0 =	sadd.s32 $0x40000, s0;
	s11 =	sshll.u32 s14, $0x6;
	s15 =	sadd.s32 $0x138000, s2  }
0x8: {  	s19 =	smul.u32 $0x4E20, s14;
	p0 =	sne.s32 s14, $0xF;
	_ =	strace $0x8000004D  }
0x9: {  	s7 =	ssub.s32 $0x2, s4;
	s8 =	sor.u32 s4, s8;
	s16 =	smul.u32 $0x138800, s4  }
0xa: {  	[dreg:$0x5] =	wrdreg s15;
	s4 =	smul.u32 $0x2710, s4;
	s10 =	sshrl.u32 s7, $0x1  }
0xb: {  	s9 =	sshrl.u32 s9, $0x2;
	s8 =	smul.u32 $0x2710, s8;
	s12 =	ssub.s32 s7, s10  }
0xc: {  	s13 =	sadd.s32 s9, s2;
	s7 =	sor.u32 $0x1C07, s11;
	s9 =	sshrl.u32 s16, $0x3  }
0xd: {  	s22 =	sadd.s32 s4, s19;
	s4 =	simm.s32 $0x2;
	[dreg:$0x4] =	wrdreg s13  }
0xe: {  	s8 =	sshrl.u32 s8, $0x3;
	s13 =	smul.u32 $0x13800, s14;
	s9 =	sadd.s32 s0, s9  }
0xf: {  	s23 =	smax.u32 s12, $0x1;
	s25 =	sadd.s32 $0x180, s22;
	s17 =	sadd.s32 s1, s8  }
0x10: {  	s18 =	sadd.s32 $0x4E0, s8;
	s10 =	sadd.s32 s6, s8;
	[dreg:$0xb] =	wrdreg s23  }
0x11: {  	s21 =	sadd.s32 $0x27000, s9;
	s23 =	simm.s32 $0x80;
	[dreg:$0x6] =	wrdreg s17  }
0x12: {  	s9 =	simm.s32 $0xA900;
	s1 =	sadd.s32 s1, s18;
	[dreg:$0xa] =	wrdreg s21  }
0x13: {  	s20 =	sadd.s32 s13, s16;
	s11 =	sadd.s32 s6, s18;
	[dreg:$0x7] =	wrdreg s1  }
0x14: {  	s24 =	sadd.s32 $0x10, s10;
	s26 =	sadd.s32 $0x20, s10;
	[dreg:$0x8] =	wrdreg s11  }
0x15: {  	s18 =	sadd.s32 $0x4D0, s10;
	s21 =	simm.s32 $0x7;
	[dreg:$0xc] =	wrdreg s24  }
0x16: {  	s8 =	sshrl.u32 s20, $0x3;
	[dreg:$0xd] =	wrdreg s26;
	s1 =	sshrl.u32 s25, $0x3  }
0x17: {  	s24 =	simm.s32 $0x2800;
	s25 =	simm.s32 $0x2780;
	s26 =	simm.s32 $0x6800  }
0x18: {  	s11 =	simm.s32 $0x0;
	s0 =	sadd.s32 s0, s8;
	s19 =	sadd.s32 s1, s6  }
0x19: {  	s1 =	simm.s32 $0xA800;
	[dreg:$0x9] =	wrdreg s0;
	s0 =	sadd.s32 $0x200, s22  }
0x1a: {  	s8 =	simm.s32 $0x10;
	s22 =	simm.s32 $0x2700;
	s0 =	sshrl.u32 s0, $0x3  }
0x1b: {  	s20 =	sadd.s32 s0, s6;
	s0 =	simm.s32 $0x4;
	s6 =	simm.s32 $0xA880  }
.LBB2_1:
0x1c: {  	s12 =	rddreg [dreg:$0x4]  }
0x1d: {  	s14 =	rddreg [dreg:$0x1];
	s12 =	sshrl.u32 s12, $0x3  }
0x1e: {  	[spmem:s12], [sflag:s7] =	dma.local [hbm:s14], $0x2700  }
0x1f: {  	_ =	swait.ge [sflag:s21], $0x2700  }
0x20: {  	[sflag:s21] =	ssyncset.done $0x0;
	s13 =	rddreg [dreg:$0x5]  }
0x21: {  	[sflag:s21] =	ssyncadd.s32 $0xFFFFD900;
	s13 =	sshrl.u32 @!p0 s13, $0x3  }
0x22: {  	[spmem:s13], [sflag:s7] =	dma.local @!p0 [hbm:s14], $0x100  }
0x23: {  	s14 =	simm.s32 @!p0 $0x7  }
0x24: {  	_ =	swait.ge @!p0 [sflag:s14], $0x100  }
0x25: {  	[sflag:s14] =	ssyncset.done @!p0 $0x0  }
0x26: {  	s16 =	rddreg [dreg:$0x6];
	[sflag:s14] =	ssyncadd.s32 @!p0 $0xFFFFFF00  }
0x27: {  	[tilespmem:s3], [sflag:$0x7] =	stream.linear.gather [hbm4b:s16+s3], $0x2700, $0x38;
	[tilespmem:$0x1E980] =	vst v63  }
0x28: {  	_ =	swait.ge [sflag:s21], $0x2700  }
0x29: {  	[sflag:s21] =	ssyncset.done $0x0  }
0x2a: {  	[sflag:s21] =	ssyncadd.s32 $0xFFFFD900  }
0x2b: {  	[bflag:$0x0] =	sbarrier.arrive $0xFFFF  }
0x2c: {  	[tilespmem:s22], [sflag:$0x1] =	stream.linear.gather [hbm4b:s10+s3], $0x80, $0x38;
	[tilespmem:$0x1E980] =	vst v63  }
0x2d: {  	_ = 	snop  }
0x2e: {  	[tilespmem:s24], [sflag:$0x3] =	stream.indirect.gather [hbm4b:s5+s23], $0x80, s3, s23, $0xb8;
	[tilespmem:$0x1E980] =	vst v63  }
0x2f: {  	s17 =	rddreg [dreg:$0xc]  }
0x30: {  	[tilespmem:s25], [sflag:$0x2] =	stream.linear.gather [hbm4b:s17+s3], $0x80, $0x38;
	[tilespmem:$0x1E980] =	vst v63  }
0x31: {  	_ = 	snop  }
0x32: {  	[tilespmem:s26], [sflag:$0x4] =	stream.indirect.gather [hbm4b:s5+s23], $0x80, s23, s23, $0xb8;
	[tilespmem:$0x1E980] =	vst v63  }
0x33: {  	_ =	swait.ge [sflag:s28], $0x4000  }
0x34: {  	[sflag:s28] =	ssyncset.done $0x0  }
0x35: {  	[sflag:s28] =	ssyncadd.s32 $0xFFFFC000  }
0x36: {  	_ =	swait.ge [sflag:s29], $0x80  }
0x37: {  	[sflag:s29] =	ssyncset.done $0x0  }
0x38: {  	[sflag:s29] =	ssyncadd.s32 $0xFFFFFF80  }
0x39: {  	[spmem:s2] =	stream.indirect.scatter.add.f32 [tilespmem:s24], [sflag:$0x5], $0x80, s22, s23, $0xb8;
	[tilespmem:$0x1E980] =	vst v63  }
0x3a: {  	_ =	swait.ge [sflag:s30], $0x4000  }
0x3b: {  	[sflag:s30] =	ssyncset.done $0x0  }
0x3c: {  	s15 =	rddreg [dreg:$0xd];
	[sflag:s30] =	ssyncadd.s32 $0xFFFFC000  }
0x3d: {  	[tilespmem:s22], [sflag:$0x1] =	stream.linear.gather [hbm4b:s15+s3], $0x80, $0x38;
	[tilespmem:$0x1E980] =	vst v63  }
0x3e: {  	s16 =	simm.s32 $0x100  }
0x3f: {  	[tilespmem:s24], [sflag:$0x3] =	stream.indirect.gather [hbm4b:s5+s23], $0x80, s16, s23, $0xb8;
	[tilespmem:$0x1E980] =	vst v63  }
0x40: {  	_ =	swait.ge [sflag:s0], $0x4000  }
0x41: {  	[sflag:s0] =	ssyncset.done $0x0  }
0x42: {  	[sflag:s0] =	ssyncadd.s32 $0xFFFFC000  }
0x43: {  	_ =	swait.ge [sflag:s4], $0x80  }
0x44: {  	[sflag:s4] =	ssyncset.done $0x0  }
0x45: {  	[sflag:s4] =	ssyncadd.s32 $0xFFFFFF80  }
0x46: {  	[spmem:s2] =	stream.indirect.scatter.add.f32 [tilespmem:s26], [sflag:$0x6], $0x80, s25, s23, $0xb8;
	[tilespmem:$0x1E980] =	vst v63  }
0x47: {  	_ =	swait.ge [sflag:s31], $0x4000  }
0x48: {  	[sflag:s31] =	ssyncset.done $0x0  }
0x49: {  	s17 =	sadd.s32 $0x0, s19;
	[sflag:s31] =	ssyncadd.s32 $0xFFFFC000  }
0x4a: {  	[tilespmem:s25], [sflag:$0x2] =	stream.linear.gather [hbm4b:s17+s3], $0x80, $0x38;
	[tilespmem:$0x1E980] =	vst v63  }
0x4b: {  	s15 =	simm.s32 $0x180  }
0x4c: {  	[tilespmem:s26], [sflag:$0x4] =	stream.indirect.gather [hbm4b:s5+s23], $0x80, s15, s23, $0xb8;
	[tilespmem:$0x1E980] =	vst v63  }
0x4d: {  	_ =	swait.ge [sflag:s28], $0x4000  }
0x4e: {  	[sflag:s28] =	ssyncset.done $0x0  }
0x4f: {  	[sflag:s28] =	ssyncadd.s32 $0xFFFFC000  }
0x50: {  	_ =	swait.ge [sflag:s29], $0x80  }
0x51: {  	[sflag:s29] =	ssyncset.done $0x0  }
0x52: {  	[sflag:s29] =	ssyncadd.s32 $0xFFFFFF80  }
0x53: {  	[spmem:s2] =	stream.indirect.scatter.add.f32 [tilespmem:s24], [sflag:$0x5], $0x80, s22, s23, $0xb8;
	[tilespmem:$0x1E980] =	vst v63  }
0x54: {  	_ =	swait.ge [sflag:s30], $0x4000  }
0x55: {  	[sflag:s30] =	ssyncset.done $0x0  }
0x56: {  	s16 =	sadd.s32 $0x0, s20;
	[sflag:s30] =	ssyncadd.s32 $0xFFFFC000  }
0x57: {  	[tilespmem:s22], [sflag:$0x1] =	stream.linear.gather [hbm4b:s16+s3], $0x80, $0x38;
	[tilespmem:$0x1E980] =	vst v63  }
0x58: {  	s17 =	simm.s32 $0x200  }
0x59: {  	[tilespmem:s24], [sflag:$0x3] =	stream.indirect.gather [hbm4b:s5+s23], $0x80, s17, s23, $0xb8;
	[tilespmem:$0x1E980] =	vst v63  }
0x5a: {  	_ =	swait.ge [sflag:s0], $0x4000  }
0x5b: {  	[sflag:s0] =	ssyncset.done $0x0  }
0x5c: {  	[sflag:s0] =	ssyncadd.s32 $0xFFFFC000  }
0x5d: {  	_ =	swait.ge [sflag:s4], $0x80  }
0x5e: {  	[sflag:s4] =	ssyncset.done $0x0  }
0x5f: {  	s14 =	simm.s32 $0x20;
	s15 =	simm.s32 $0x280;
	[sflag:s4] =	ssyncadd.s32 $0xFFFFFF80  }
.LBB2_2:
0x60: {  	[spmem:s2] =	stream.indirect.scatter.add.f32 [tilespmem:s26], [sflag:$0x6], $0x80, s25, s23, $0xb8;
	[tilespmem:$0x1E980] =	vst v63  }
0x61: {  	s16 =	smov.u32 s14  }
0x62: {  	p1 =	sne.s32 s14, $0x480;
	s14 =	sadd.s32 $0x20, s14;
	_ =	swait.ge [sflag:s31], $0x4000  }
0x63: {  	[sflag:s31] =	ssyncset.done $0x0  }
0x64: {  	s17 =	sadd.s32 s16, s19;
	[sflag:s31] =	ssyncadd.s32 $0xFFFFC000  }
0x65: {  	[tilespmem:s25], [sflag:$0x2] =	stream.linear.gather [hbm4b:s17+s3], $0x80, $0x38;
	[tilespmem:$0x1E980] =	vst v63  }
0x66: {  	_ = 	snop  }
0x67: {  	[tilespmem:s26], [sflag:$0x4] =	stream.indirect.gather [hbm4b:s5+s23], $0x80, s15, s23, $0xb8;
	[tilespmem:$0x1E980] =	vst v63  }
0x68: {  	_ =	swait.ge [sflag:s28], $0x4000  }
0x69: {  	[sflag:s28] =	ssyncset.done $0x0  }
0x6a: {  	[sflag:s28] =	ssyncadd.s32 $0xFFFFC000  }
0x6b: {  	_ =	swait.ge [sflag:s29], $0x80  }
0x6c: {  	[sflag:s29] =	ssyncset.done $0x0  }
0x6d: {  	[sflag:s29] =	ssyncadd.s32 $0xFFFFFF80  }
0x6e: {  	[spmem:s2] =	stream.indirect.scatter.add.f32 [tilespmem:s24], [sflag:$0x5], $0x80, s22, s23, $0xb8;
	[tilespmem:$0x1E980] =	vst v63  }
0x6f: {  	_ =	swait.ge [sflag:s30], $0x4000  }
0x70: {  	[sflag:s30] =	ssyncset.done $0x0  }
0x71: {  	s16 =	sadd.s32 s16, s20;
	[sflag:s30] =	ssyncadd.s32 $0xFFFFC000  }
0x72: {  	[tilespmem:s22], [sflag:$0x1] =	stream.linear.gather [hbm4b:s16+s3], $0x80, $0x38;
	[tilespmem:$0x1E980] =	vst v63  }
0x73: {  	s16 =	sadd.s32 $0x80, s15  }
0x74: {  	[tilespmem:s24], [sflag:$0x3] =	stream.indirect.gather [hbm4b:s5+s23], $0x80, s16, s23, $0xb8;
	[tilespmem:$0x1E980] =	vst v63  }
0x75: {  	_ =	swait.ge [sflag:s0], $0x4000  }
.Ltmp0:
0x76: {  	[sflag:s0] =	ssyncset.done $0x0;
	(pc) =	sbr.rel @p1 .LBB2_2-.Ltmp0, $4  }
0x77: {  	[sflag:s0] =	ssyncadd.s32 $0xFFFFC000  }
0x78: {  	_ =	swait.ge [sflag:s4], $0x80  }
0x79: {  	[sflag:s4] =	ssyncset.done $0x0  }
0x7a: {  	s15 =	sadd.s32 $0x100, s15;
	[sflag:s4] =	ssyncadd.s32 $0xFFFFFF80  }
0x7b: {  	[spmem:s2] =	stream.indirect.scatter.add.f32 [tilespmem:s26], [sflag:$0x6], $0x80, s25, s23, $0xb8;
	[tilespmem:$0x1E980] =	vst v63  }
0x7c: {  	_ =	swait.ge [sflag:s31], $0x4000  }
0x7d: {  	[sflag:s31] =	ssyncset.done $0x0  }
0x7e: {  	[sflag:s31] =	ssyncadd.s32 $0xFFFFC000  }
0x7f: {  	[tilespmem:s25], [sflag:$0x2] =	stream.linear.gather [hbm4b:s18+s3], $0x80, $0x38;
	[tilespmem:$0x1E980] =	vst v63  }
0x80: {  	s14 =	simm.s32 $0x2680  }
0x81: {  	[tilespmem:s26], [sflag:$0x4] =	stream.indirect.gather [hbm4b:s5+s23], $0x80, s14, s23, $0xb8;
	[tilespmem:$0x1E980] =	vst v63  }
0x82: {  	_ =	swait.ge [sflag:s28], $0x4000  }
0x83: {  	[sflag:s28] =	ssyncset.done $0x0  }
0x84: {  	[sflag:s28] =	ssyncadd.s32 $0xFFFFC000  }
0x85: {  	_ =	swait.ge [sflag:s29], $0x80  }
0x86: {  	[sflag:s29] =	ssyncset.done $0x0  }
0x87: {  	[sflag:s29] =	ssyncadd.s32 $0xFFFFFF80  }
0x88: {  	[spmem:s2] =	stream.indirect.scatter.add.f32 [tilespmem:s24], [sflag:$0x5], $0x80, s22, s23, $0xb8;
	[tilespmem:$0x1E980] =	vst v63  }
0x89: {  	_ =	swait.ge [sflag:s0], $0x4000  }
0x8a: {  	[sflag:s0] =	ssyncset.done $0x0  }
0x8b: {  	[sflag:s0] =	ssyncadd.s32 $0xFFFFC000  }
0x8c: {  	_ =	swait.ge [sflag:s4], $0x80  }
0x8d: {  	[sflag:s4] =	ssyncset.done $0x0  }
0x8e: {  	[sflag:s4] =	ssyncadd.s32 $0xFFFFFF80  }
0x8f: {  	[spmem:s2] =	stream.indirect.scatter.add.f32 [tilespmem:s26], [sflag:$0x6], $0x80, s25, s23, $0xb8;
	[tilespmem:$0x1E980] =	vst v63  }
0x90: {  	_ =	swait.ge [sflag:s30], $0x4000  }
0x91: {  	[sflag:s30] =	ssyncset.done $0x0  }
0x92: {  	[sflag:s30] =	ssyncadd.s32 $0xFFFFC000  }
0x93: {  	_ =	swait.ge [sflag:s31], $0x4000  }
0x94: {  	[sflag:s31] =	ssyncset.done $0x0  }
0x95: {  	s17 =	rddreg [dreg:$0x7];
	[sflag:s31] =	ssyncadd.s32 $0xFFFFC000  }
0x96: {  	[tilespmem:s1], [sflag:$0x7] =	stream.linear.gather [hbm4b:s17+s3], $0x10, $0x38;
	[tilespmem:$0x1E980] =	vst v63  }
0x97: {  	_ =	swait.ge [sflag:s21], $0x10  }
0x98: {  	[sflag:s21] =	ssyncset.done $0x0  }
0x99: {  	s15 =	rddreg [dreg:$0x8];
	[sflag:s21] =	ssyncadd.s32 $0xFFFFFFF0  }
0x9a: {  	[tilespmem:s6], [sflag:$0x7] =	stream.linear.gather [hbm4b:s15+s3], $0x10, $0x38;
	[tilespmem:$0x1E980] =	vst v63  }
0x9b: {  	_ =	swait.ge [sflag:s21], $0x10  }
0x9c: {  	[sflag:s21] =	ssyncset.done $0x0  }
0x9d: {  	[sflag:s21] =	ssyncadd.s32 $0xFFFFFFF0  }
0x9e: {  	[tilespmem:s9], [sflag:$0x3] =	stream.indirect.gather [hbm4b:s5+s8], $0x80, s1, s8, $0xb8;
	[tilespmem:$0x1E980] =	vst v63  }
0x9f: {  	_ =	swait.ge [sflag:s28], $0x800  }
0xa0: {  	[sflag:s28] =	ssyncset.done $0x0  }
0xa1: {  	[sflag:s28] =	ssyncadd.s32 $0xFFFFF800  }
0xa2: {  	[spmem:s2] =	stream.indirect.scatter.add.f32 [tilespmem:s9], [sflag:$0x7], $0x80, s6, s8, $0xb8;
	[tilespmem:$0x1E980] =	vst v63  }
0xa3: {  	_ =	swait.ge [sflag:s21], $0x800  }
0xa4: {  	[sflag:s21] =	ssyncset.done $0x0  }
0xa5: {  	[sflag:s21] =	ssyncadd.s32 $0xFFFFF800  }
0xa6: {  	[bflag:$0x0] =	sbarrier.arrive $0xFFFF  }
0xa7: {  	s16 =	rddreg [dreg:$0x9]  }
0xa8: {  	[hbm:s16], [sflag:s7] =	dma.local [spmem:s12], $0x2700  }
0xa9: {  	_ =	swait.ge [sflag:s21], $0x2700  }
0xaa: {  	[sflag:s21] =	ssyncset.done $0x0  }
0xab: {  	s12 =	rddreg [dreg:$0xa];
	[sflag:s21] =	ssyncadd.s32 $0xFFFFD900  }
0xac: {  	[hbm:s12], [sflag:s7] =	dma.local @!p0 [spmem:s13], $0x100  }
0xad: {  	s12 =	simm.s32 @!p0 $0x7  }
0xae: {  	_ =	swait.ge @!p0 [sflag:s12], $0x100  }
0xaf: {  	s11 =	sadd.s32 $0x1, s11;
	s17 =	rddreg [dreg:$0xb]  }
0xb0: {  	p1 =	sne.s32 s11, s17  }
.Ltmp1:
0xb1: {  	_ = 	snop;
	(pc) =	sbr.rel @p1 .LBB2_1-.Ltmp1, $3  }
0xb2: {  	_ =	sdelay $0x1  }
0xb3: {  	[sflag:s12] =	ssyncset.done @!p0 $0x0  }
0xb4: {  	[sflag:s12] =	ssyncadd.s32 @!p0 $0xFFFFFF00  }
0xb5: {  	_ =	sfence.sel $0x180000  }
0xb6: {  	[bflag:$0x0] =	sbarrier.arrive $0xFFFF  }
0xb7: {  	_ =	strace $0x9000004D  }
0xb8: {  	s0 =	stileid.u32;
	[bflag:$0x2] =	sbarrier.arrive $0xFFFF  }
0xb9: {  	p0 =	sne.s32 s0, $0x0;
	s0 =	rddreg [dreg:$0x3]  }
0xba: {  	s0 =	sadd.s32 @!p0 $0x100000, s0  }
0xbb: {  	[sflag:s0] =	ssyncadd.tile.s32 @!p0 $0x1;
	_ =	shalt  }
.Lfunc_end2:
_tile_overlayer_lowered:
.L_overlay_start_2:
0xbc: {  	(tag) =	ssettag $0x2  }
0xbd: {  	s0 =	rddreg [dreg:$0x0];
	s2 =	stileid.u32  }
0xbe: {  	s1 =	rddreg [dreg:$0x1];
	p0 =	sne.s32 s2, $0x0  }
0xbf: {  	s3 =	rddreg [dreg:$0x2];
	[bflag:$0x3] =	sbarrier.arrive $0xFFFF;
	s2 =	simm.s32 @!p0 $0x1C07  }
0xc0: {  	[timem:s3], [sflag:s2] =	dma.local @!p0 [hbm:s0], s1  }
0xc1: {  	s0 =	simm.s32 @!p0 $0x7  }
0xc2: {  	_ =	swait.ge @!p0 [sflag:s0], s1  }
0xc3: {  	s1 =	ssub.s32 @!p0 $0x0, s1;
	[sflag:s0] =	ssyncset.done @!p0 $0x0  }
0xc4: {  	[sflag:s0] =	ssyncadd.s32 @!p0 s1  }
0xc5: {  	[bflag:$0x3] =	sbarrier.arrive $0xFFFF  }
0xc6: {  	_ =	shalt  }

</sc_bundles>
